<compile_context>
chip_gen: v7x
topology: tpu7x:2x2x1
jax: 0.10.2.dev20260603
libtpu: 0.0.44.dev20260713+nightly
codegen_flags: <defaults>
</compile_context>

<pallas_src>
import functools

import jax
import jax.numpy as jnp
from jax import lax
from jax.experimental import pallas as pl
from jax.experimental.pallas import tpu as pltpu
from jax.experimental.pallas import tpu_sc as plsc

N_ROWS = 16384
N_COLS = 2048
NC = 2
NS = 16
NW = NC * NS
N_TROWS = N_ROWS // 8
TROWS_PER_W = N_TROWS // NW
TROW_WORDS = 8 * N_COLS
JV = N_COLS // 16


def _body(z_hbm, perm_hbm, out_hbm,
          perm_v, pcol_v, in_v0, in_v1, out_v0, out_v1,
          sin0, sin1, sout0, sout1):
    wid = lax.axis_index("s") * NC + lax.axis_index("c")
    base_t = wid * TROWS_PER_W

    in_bufs = (in_v0, in_v1)
    out_bufs = (out_v0, out_v1)
    sins = (sin0, sin1)
    souts = (sout0, sout1)

    def start_in(b, d):
        pltpu.async_copy(z_hbm.at[base_t + b], in_bufs[d], sins[d])

    def wait_in(b, d):
        pltpu.make_async_copy(z_hbm.at[base_t + b], in_bufs[d], sins[d]).wait()

    def start_out(b, d):
        pltpu.async_copy(out_bufs[d], out_hbm.at[base_t + b], souts[d])

    def wait_out(b, d):
        pltpu.make_async_copy(
            out_bufs[d], out_hbm.at[base_t + b], souts[d]).wait()

    start_in(0, 0)
    pltpu.sync_copy(perm_hbm, perm_v)

    @plsc.parallel_loop(0, JV, 1, unroll=4)
    def _pcol(jv):
        p = perm_v[pl.ds(jv * 16, 16)]
        pcol_v[pl.ds(jv * 16, 16)] = ((p >> 7) << 10) | (p & 127)

    def block_pair(b2, _):
        for d in range(2):
            b = 2 * b2 + d
            wait_in(b, d)

            @pl.when(b + 1 < TROWS_PER_W)
            def _():
                start_in(b + 1, 1 - d)

            @pl.when(b2 > 0)
            def _():
                wait_out(b - 2, d)

            ov = out_bufs[d]
            iv = in_bufs[d]

            @plsc.parallel_loop(0, JV, 1, unroll=8)
            def _jvec(jv):
                col0 = jv * 16
                idx = pcol_v[pl.ds(col0, 16)]
                obase = ((jv >> 3) << 10) | ((jv & 7) * 16)
                for il in range(8):
                    ov[pl.ds(obase + il * 128, 16)] = plsc.load_gather(
                        iv, [idx + il * 128])

            start_out(b, d)
        return 0

    lax.fori_loop(0, TROWS_PER_W // 2, block_pair, 0)
    wait_out(TROWS_PER_W - 2, 0)
    wait_out(TROWS_PER_W - 1, 1)


@jax.jit
def _permute(z_tiled, perm_i32):
    k = functools.partial(
        pl.kernel,
        out_type=jax.ShapeDtypeStruct((N_TROWS, TROW_WORDS), jnp.float32),
        mesh=plsc.VectorSubcoreMesh(core_axis_name="c", subcore_axis_name="s"),
        scratch_types=[
            pltpu.VMEM((N_COLS,), jnp.int32),
            pltpu.VMEM((N_COLS,), jnp.int32),
            pltpu.VMEM((TROW_WORDS,), jnp.float32),
            pltpu.VMEM((TROW_WORDS,), jnp.float32),
            pltpu.VMEM((TROW_WORDS,), jnp.float32),
            pltpu.VMEM((TROW_WORDS,), jnp.float32),
            pltpu.SemaphoreType.DMA,
            pltpu.SemaphoreType.DMA,
            pltpu.SemaphoreType.DMA,
            pltpu.SemaphoreType.DMA,
        ],
        compiler_params=pltpu.CompilerParams(
            use_tc_tiling_on_sc=False, needs_layout_passes=False
        ),
    )(_body)
    return k(z_tiled, perm_i32)


def kernel(z, perm):
    z_tiled = jnp.transpose(
        z.reshape(N_TROWS, 8, N_COLS // 128, 128), (0, 2, 1, 3)
    ).reshape(N_TROWS, TROW_WORDS)
    out_tiled = _permute(z_tiled, perm.astype(jnp.int32))
    return jnp.transpose(
        out_tiled.reshape(N_TROWS, N_COLS // 128, 8, 128), (0, 2, 1, 3)
    ).reshape(N_ROWS, N_COLS)

# --- scband reference (transcript-rebuilt; emitter-appended) ---
"""Pipeline reference for scband-permutational-layer-56186762166748 (READ-ONLY COPY).

The authoritative reference and input builder live on the scoring server;
editing this copy changes nothing except your own understanding.
"""

import jax, jax.numpy as jnp
import numpy as np


def setup_inputs(seed: int = 0) -> dict:
    key = jax.random.key(seed)
    kz, kp = jax.random.split(key)
    z = jax.random.normal(kz, (16384, 2048), dtype=jnp.float32)
    # buffer: a random permutation of the feature axis (guaranteed non-identity for this seed)
    perm = jax.random.permutation(kp, 2048).astype(jnp.int64)
    return {"z": z, "perm": perm}


def reference(z, perm):
    # PermutationalLayer.forward: gather columns according to perm
    return jnp.take(z, perm, axis=1)

if __name__ == "__main__":
    import jax
    _d = setup_inputs()
    print(jax.jit(kernel)(*tuple(_d.values())))

</pallas_src>

<mosaic_0001>
#map = affine_map<(d0, d1) -> (0, 0)>
#map1 = affine_map<(d0, d1) -> (0)>
module attributes {stable_mosaic.version = 14 : i64} {
  func.func @_body(%arg0: i32, %arg1: i32, %arg2: memref<2048x16384xf32, #tpu.memory_space<hbm>>, %arg3: memref<2048xi32, #tpu.memory_space<hbm>>, %arg4: memref<2048x16384xf32, #tpu.memory_space<hbm>>, %arg5: memref<2048xi32, #tpu.memory_space<vmem>>, %arg6: memref<2048xi32, #tpu.memory_space<vmem>>, %arg7: memref<16384xf32, #tpu.memory_space<vmem>>, %arg8: memref<16384xf32, #tpu.memory_space<vmem>>, %arg9: memref<16384xf32, #tpu.memory_space<vmem>>, %arg10: memref<16384xf32, #tpu.memory_space<vmem>>, %arg11: memref<!tpu.dma_semaphore, #tpu.memory_space<semaphore_mem>>, %arg12: memref<!tpu.dma_semaphore, #tpu.memory_space<semaphore_mem>>, %arg13: memref<!tpu.dma_semaphore, #tpu.memory_space<semaphore_mem>>, %arg14: memref<!tpu.dma_semaphore, #tpu.memory_space<semaphore_mem>>) attributes {dimension_semantics = [#tpu.dimension_semantics<core_parallel>, #tpu.dimension_semantics<subcore_parallel>], iteration_bounds = array<i64: 2, 16>, scalar_prefetch = 0 : i64, scratch_operands = 10 : i64, tpu.core_type = #tpu.core_type<sc_vector_subcore>, window_params = [{transform_indices = #map}, {transform_indices = #map1}, {transform_indices = #map}]} {
    %mul3A = arith.constant 2 : i32
    %mul3A_0 = arith.muli %arg1, %mul3A : i32
    %add3A = arith.addi %mul3A_0, %arg0 : i32
    %mul3A_1 = arith.constant 64 : i32
    %mul3A_2 = arith.muli %add3A, %mul3A_1 : i32
    %add3A_3 = arith.constant 0 : i32
    %add3A_4 = arith.addi %mul3A_2, %add3A_3 : i32
    %dma_start3A = arith.constant 0 : i32
    %dma_start3A_5 = tpu.memref_slice %arg2[%add3A_4, %dma_start3A] : memref<2048x16384xf32, #tpu.memory_space<hbm>> -> memref<1x16384xf32, #tpu.memory_space<hbm>>
    %dma_start3A_6 = tpu.memref_squeeze %dma_start3A_5 : memref<1x16384xf32, #tpu.memory_space<hbm>> -> memref<16384xf32, #tpu.memory_space<hbm>>
    %dma_start3A_7 = arith.constant 0 : i32
    %dma_start3A_8 = tpu.memref_slice %arg2[%add3A_4, %dma_start3A_7] : memref<2048x16384xf32, #tpu.memory_space<hbm>> -> memref<1x16384xf32, #tpu.memory_space<hbm>>
    %dma_start3A_9 = tpu.memref_squeeze %dma_start3A_8 : memref<1x16384xf32, #tpu.memory_space<hbm>> -> memref<16384xf32, #tpu.memory_space<hbm>>
    tpu.enqueue_dma source(%dma_start3A_9 : memref<16384xf32, #tpu.memory_space<hbm>>) target(%arg7 : memref<16384xf32, #tpu.memory_space<vmem>>) target_semaphore(%arg11 : memref<!tpu.dma_semaphore, #tpu.memory_space<semaphore_mem>>)
    "tpu.region"() ({
      %run_scoped3A = tpu.sem_alloc : memref<!tpu.dma_semaphore, #tpu.memory_space<semaphore_mem>>
      tpu.enqueue_dma source(%arg3 : memref<2048xi32, #tpu.memory_space<hbm>>) target(%arg5 : memref<2048xi32, #tpu.memory_space<vmem>>) target_semaphore(%run_scoped3A : memref<!tpu.dma_semaphore, #tpu.memory_space<semaphore_mem>>)
      tpu.wait_dma2 semaphore(%run_scoped3A : memref<!tpu.dma_semaphore, #tpu.memory_space<semaphore_mem>>) src(%arg3 : memref<2048xi32, #tpu.memory_space<hbm>>) dst(%arg5 : memref<2048xi32, #tpu.memory_space<vmem>>)
      tpu.yield
    }) : () -> ()
    %parallel_loop3A = arith.constant 0 : i32
    %parallel_loop3A_10 = arith.constant 128 : i32
    %parallel_loop3A_11 = arith.constant 1 : i32
    scf.for %parallel_loop3A_33 = %parallel_loop3A to %parallel_loop3A_10 step %parallel_loop3A_11  : i32 {
      %parallel_loop3A_34 = arith.constant 16 : i32
      %parallel_loop3A_35 = arith.muli %parallel_loop3A_33, %parallel_loop3A_34 : i32
      %parallel_loop3A_36 = arith.index_cast %parallel_loop3A_35 : i32 to index
      %parallel_loop3A_37 = tpu.vector_load %arg5[%parallel_loop3A_36] {strides = array<i32>} : memref<2048xi32, #tpu.memory_space<vmem>>, vector<16xi32>,
      %parallel_loop3A_38 = arith.constant 7 : i32
      %parallel_loop3A_39 = vector.broadcast %parallel_loop3A_38 : i32 to vector<16xi32>
      %parallel_loop3A_40 = arith.shrsi %parallel_loop3A_37, %parallel_loop3A_39 : vector<16xi32>
      %parallel_loop3A_41 = arith.constant 10 : i32
      %parallel_loop3A_42 = vector.broadcast %parallel_loop3A_41 : i32 to vector<16xi32>
      %parallel_loop3A_43 = arith.shli %parallel_loop3A_40, %parallel_loop3A_42 : vector<16xi32>
      %parallel_loop3A_44 = arith.constant 127 : i32
      %parallel_loop3A_45 = vector.broadcast %parallel_loop3A_44 : i32 to vector<16xi32>
      %parallel_loop3A_46 = arith.andi %parallel_loop3A_37, %parallel_loop3A_45 : vector<16xi32>
      %parallel_loop3A_47 = arith.ori %parallel_loop3A_43, %parallel_loop3A_46 : vector<16xi32>
      %parallel_loop3A_48 = arith.constant 16 : i32
      %parallel_loop3A_49 = arith.muli %parallel_loop3A_33, %parallel_loop3A_48 : i32
      %parallel_loop3A_50 = arith.index_cast %parallel_loop3A_49 : i32 to index
      %parallel_loop3A_51 = tpu.vector_load %arg6[%parallel_loop3A_50] {strides = array<i32>} : memref<2048xi32, #tpu.memory_space<vmem>>, vector<16xi32>,
      tpu.vector_store %arg6[%parallel_loop3A_50], %parallel_loop3A_47 {strides = array<i32>} : memref<2048xi32, #tpu.memory_space<vmem>>, vector<16xi32>,
    } {sc.loop_unroll_factor = 4 : i64, sc.parallel_access}
    %scan3A = arith.constant 0 : i32
    %scan3A_12 = arith.constant 0 : i32
    %scan3A_13 = arith.constant 32 : i32
    %scan3A_14 = arith.addi %scan3A_12, %scan3A_13 : i32
    %scan3A_15 = arith.constant 1 : i32
    %scan3A_16 = scf.for %scan3A_33 = %scan3A_12 to %scan3A_14 step %scan3A_15 iter_args(%scan3A_34 = %scan3A) -> (i32)  : i32 {
      %mul3A_35 = arith.constant 2 : i32
      %mul3A_36 = arith.muli %mul3A_35, %scan3A_33 : i32
      %add3A_37 = arith.constant 0 : i32
      %add3A_38 = arith.addi %mul3A_36, %add3A_37 : i32
      %add3A_39 = arith.addi %mul3A_2, %add3A_38 : i32
      %dma_wait3A_40 = arith.constant 0 : i32
      %dma_wait3A_41 = tpu.memref_slice %arg2[%add3A_39, %dma_wait3A_40] : memref<2048x16384xf32, #tpu.memory_space<hbm>> -> memref<1x16384xf32, #tpu.memory_space<hbm>>
      %dma_wait3A_42 = tpu.memref_squeeze %dma_wait3A_41 : memref<1x16384xf32, #tpu.memory_space<hbm>> -> memref<16384xf32, #tpu.memory_space<hbm>>
      %dma_wait3A_43 = arith.constant 0 : i32
      %dma_wait3A_44 = tpu.memref_slice %arg2[%add3A_39, %dma_wait3A_43] : memref<2048x16384xf32, #tpu.memory_space<hbm>> -> memref<1x16384xf32, #tpu.memory_space<hbm>>
      %dma_wait3A_45 = tpu.memref_squeeze %dma_wait3A_44 : memref<1x16384xf32, #tpu.memory_space<hbm>> -> memref<16384xf32, #tpu.memory_space<hbm>>
      tpu.wait_dma2 semaphore(%arg11 : memref<!tpu.dma_semaphore, #tpu.memory_space<semaphore_mem>>) src(%dma_wait3A_45 : memref<16384xf32, #tpu.memory_space<hbm>>) dst(%arg7 : memref<16384xf32, #tpu.memory_space<vmem>>)
      %add3A_46 = arith.constant 1 : i32
      %add3A_47 = arith.addi %add3A_38, %add3A_46 : i32
      %lt3A = arith.constant 64 : i32
      %lt3A_48 = arith.cmpi slt, %add3A_47, %lt3A : i32
      %convert_element_type3A = arith.extui %lt3A_48 : i1 to i32
      %cond3A = arith.constant 0 : i32
      %cond3A_49 = arith.cmpi ne, %convert_element_type3A, %cond3A : i32
      scf.if %cond3A_49 {
        %add3A_98 = arith.constant 1 : i32
        %add3A_99 = arith.addi %add3A_38, %add3A_98 : i32
        %add3A_100 = arith.addi %mul3A_2, %add3A_99 : i32
        %dma_start3A_101 = arith.constant 0 : i32
        %dma_start3A_102 = tpu.memref_slice %arg2[%add3A_100, %dma_start3A_101] : memref<2048x16384xf32, #tpu.memory_space<hbm>> -> memref<1x16384xf32, #tpu.memory_space<hbm>>
        %dma_start3A_103 = tpu.memref_squeeze %dma_start3A_102 : memref<1x16384xf32, #tpu.memory_space<hbm>> -> memref<16384xf32, #tpu.memory_space<hbm>>
        %dma_start3A_104 = arith.constant 0 : i32
        %dma_start3A_105 = tpu.memref_slice %arg2[%add3A_100, %dma_start3A_104] : memref<2048x16384xf32, #tpu.memory_space<hbm>> -> memref<1x16384xf32, #tpu.memory_space<hbm>>
        %dma_start3A_106 = tpu.memref_squeeze %dma_start3A_105 : memref<1x16384xf32, #tpu.memory_space<hbm>> -> memref<16384xf32, #tpu.memory_space<hbm>>
        tpu.enqueue_dma source(%dma_start3A_106 : memref<16384xf32, #tpu.memory_space<hbm>>) target(%arg8 : memref<16384xf32, #tpu.memory_space<vmem>>) target_semaphore(%arg12 : memref<!tpu.dma_semaphore, #tpu.memory_space<semaphore_mem>>)
      } else {
      }
      %gt3A = arith.constant 0 : i32
      %gt3A_50 = arith.cmpi sgt, %scan3A_33, %gt3A : i32
      %convert_element_type3A_51 = arith.extui %gt3A_50 : i1 to i32
      %cond3A_52 = arith.constant 0 : i32
      %cond3A_53 = arith.cmpi ne, %convert_element_type3A_51, %cond3A_52 : i32
      scf.if %cond3A_53 {
        %sub3A = arith.constant 2 : i32
        %sub3A_98 = arith.subi %add3A_38, %sub3A : i32
        %add3A_99 = arith.addi %mul3A_2, %sub3A_98 : i32
        %dma_wait3A_100 = arith.constant 0 : i32
        %dma_wait3A_101 = tpu.memref_slice %arg4[%add3A_99, %dma_wait3A_100] : memref<2048x16384xf32, #tpu.memory_space<hbm>> -> memref<1x16384xf32, #tpu.memory_space<hbm>>
        %dma_wait3A_102 = tpu.memref_squeeze %dma_wait3A_101 : memref<1x16384xf32, #tpu.memory_space<hbm>> -> memref<16384xf32, #tpu.memory_space<hbm>>
        %dma_wait3A_103 = arith.constant 0 : i32
        %dma_wait3A_104 = tpu.memref_slice %arg4[%add3A_99, %dma_wait3A_103] : memref<2048x16384xf32, #tpu.memory_space<hbm>> -> memref<1x16384xf32, #tpu.memory_space<hbm>>
        %dma_wait3A_105 = tpu.memref_squeeze %dma_wait3A_104 : memref<1x16384xf32, #tpu.memory_space<hbm>> -> memref<16384xf32, #tpu.memory_space<hbm>>
        tpu.wait_dma2 semaphore(%arg13 : memref<!tpu.dma_semaphore, #tpu.memory_space<semaphore_mem>>) src(%arg9 : memref<16384xf32, #tpu.memory_space<vmem>>) dst(%dma_wait3A_105 : memref<16384xf32, #tpu.memory_space<hbm>>)
      } else {
      }
      %parallel_loop3A_54 = arith.constant 0 : i32
      %parallel_loop3A_55 = arith.constant 128 : i32
      %parallel_loop3A_56 = arith.constant 1 : i32
      scf.for %parallel_loop3A_98 = %parallel_loop3A_54 to %parallel_loop3A_55 step %parallel_loop3A_56  : i32 {
        %parallel_loop3A_99 = arith.constant 16 : i32
        %parallel_loop3A_100 = arith.muli %parallel_loop3A_98, %parallel_loop3A_99 : i32
        %parallel_loop3A_101 = arith.index_cast %parallel_loop3A_100 : i32 to index
        %parallel_loop3A_102 = tpu.vector_load %arg6[%parallel_loop3A_101] {strides = array<i32>} : memref<2048xi32, #tpu.memory_space<vmem>>, vector<16xi32>,
        %parallel_loop3A_103 = arith.constant 3 : i32
        %parallel_loop3A_104 = arith.shrsi %parallel_loop3A_98, %parallel_loop3A_103 : i32
        %parallel_loop3A_105 = arith.constant 10 : i32
        %parallel_loop3A_106 = arith.shli %parallel_loop3A_104, %parallel_loop3A_105 : i32
        %parallel_loop3A_107 = arith.constant 7 : i32
        %parallel_loop3A_108 = arith.andi %parallel_loop3A_98, %parallel_loop3A_107 : i32
        %parallel_loop3A_109 = arith.constant 16 : i32
        %parallel_loop3A_110 = arith.muli %parallel_loop3A_108, %parallel_loop3A_109 : i32
        %parallel_loop3A_111 = arith.ori %parallel_loop3A_106, %parallel_loop3A_110 : i32
        %parallel_loop3A_112 = arith.constant 0 : i32
        %parallel_loop3A_113 = vector.broadcast %parallel_loop3A_112 : i32 to vector<16xi32>
        %parallel_loop3A_114 = arith.addi %parallel_loop3A_102, %parallel_loop3A_113 : vector<16xi32>
        %parallel_loop3A_115 = tpu.vector_load_idx %arg7[%parallel_loop3A_114] : memref<16384xf32, #tpu.memory_space<vmem>>[vector<16xi32>], vector<16xf32>,
        %parallel_loop3A_116 = arith.constant 0 : i32
        %parallel_loop3A_117 = arith.addi %parallel_loop3A_111, %parallel_loop3A_116 : i32
        %parallel_loop3A_118 = arith.index_cast %parallel_loop3A_117 : i32 to index
        %parallel_loop3A_119 = tpu.vector_load %arg9[%parallel_loop3A_118] {strides = array<i32>} : memref<16384xf32, #tpu.memory_space<vmem>>, vector<16xf32>,
        tpu.vector_store %arg9[%parallel_loop3A_118], %parallel_loop3A_115 {strides = array<i32>} : memref<16384xf32, #tpu.memory_space<vmem>>, vector<16xf32>,
        %parallel_loop3A_120 = arith.constant 128 : i32
        %parallel_loop3A_121 = vector.broadcast %parallel_loop3A_120 : i32 to vector<16xi32>
        %parallel_loop3A_122 = arith.addi %parallel_loop3A_102, %parallel_loop3A_121 : vector<16xi32>
        %parallel_loop3A_123 = tpu.vector_load_idx %arg7[%parallel_loop3A_122] : memref<16384xf32, #tpu.memory_space<vmem>>[vector<16xi32>], vector<16xf32>,
        %parallel_loop3A_124 = arith.constant 128 : i32
        %parallel_loop3A_125 = arith.addi %parallel_loop3A_111, %parallel_loop3A_124 : i32
        %parallel_loop3A_126 = arith.index_cast %parallel_loop3A_125 : i32 to index
        %parallel_loop3A_127 = tpu.vector_load %arg9[%parallel_loop3A_126] {strides = array<i32>} : memref<16384xf32, #tpu.memory_space<vmem>>, vector<16xf32>,
        tpu.vector_store %arg9[%parallel_loop3A_126], %parallel_loop3A_123 {strides = array<i32>} : memref<16384xf32, #tpu.memory_space<vmem>>, vector<16xf32>,
        %parallel_loop3A_128 = arith.constant 256 : i32
        %parallel_loop3A_129 = vector.broadcast %parallel_loop3A_128 : i32 to vector<16xi32>
        %parallel_loop3A_130 = arith.addi %parallel_loop3A_102, %parallel_loop3A_129 : vector<16xi32>
        %parallel_loop3A_131 = tpu.vector_load_idx %arg7[%parallel_loop3A_130] : memref<16384xf32, #tpu.memory_space<vmem>>[vector<16xi32>], vector<16xf32>,
        %parallel_loop3A_132 = arith.constant 256 : i32
        %parallel_loop3A_133 = arith.addi %parallel_loop3A_111, %parallel_loop3A_132 : i32
        %parallel_loop3A_134 = arith.index_cast %parallel_loop3A_133 : i32 to index
        %parallel_loop3A_135 = tpu.vector_load %arg9[%parallel_loop3A_134] {strides = array<i32>} : memref<16384xf32, #tpu.memory_space<vmem>>, vector<16xf32>,
        tpu.vector_store %arg9[%parallel_loop3A_134], %parallel_loop3A_131 {strides = array<i32>} : memref<16384xf32, #tpu.memory_space<vmem>>, vector<16xf32>,
        %parallel_loop3A_136 = arith.constant 384 : i32
        %parallel_loop3A_137 = vector.broadcast %parallel_loop3A_136 : i32 to vector<16xi32>
        %parallel_loop3A_138 = arith.addi %parallel_loop3A_102, %parallel_loop3A_137 : vector<16xi32>
        %parallel_loop3A_139 = tpu.vector_load_idx %arg7[%parallel_loop3A_138] : memref<16384xf32, #tpu.memory_space<vmem>>[vector<16xi32>], vector<16xf32>,
        %parallel_loop3A_140 = arith.constant 384 : i32
        %parallel_loop3A_141 = arith.addi %parallel_loop3A_111, %parallel_loop3A_140 : i32
        %parallel_loop3A_142 = arith.index_cast %parallel_loop3A_141 : i32 to index
        %parallel_loop3A_143 = tpu.vector_load %arg9[%parallel_loop3A_142] {strides = array<i32>} : memref<16384xf32, #tpu.memory_space<vmem>>, vector<16xf32>,
        tpu.vector_store %arg9[%parallel_loop3A_142], %parallel_loop3A_139 {strides = array<i32>} : memref<16384xf32, #tpu.memory_space<vmem>>, vector<16xf32>,
        %parallel_loop3A_144 = arith.constant 512 : i32
        %parallel_loop3A_145 = vector.broadcast %parallel_loop3A_144 : i32 to vector<16xi32>
        %parallel_loop3A_146 = arith.addi %parallel_loop3A_102, %parallel_loop3A_145 : vector<16xi32>
        %parallel_loop3A_147 = tpu.vector_load_idx %arg7[%parallel_loop3A_146] : memref<16384xf32, #tpu.memory_space<vmem>>[vector<16xi32>], vector<16xf32>,
        %parallel_loop3A_148 = arith.constant 512 : i32
        %parallel_loop3A_149 = arith.addi %parallel_loop3A_111, %parallel_loop3A_148 : i32
        %parallel_loop3A_150 = arith.index_cast %parallel_loop3A_149 : i32 to index
        %parallel_loop3A_151 = tpu.vector_load %arg9[%parallel_loop3A_150] {strides = array<i32>} : memref<16384xf32, #tpu.memory_space<vmem>>, vector<16xf32>,
        tpu.vector_store %arg9[%parallel_loop3A_150], %parallel_loop3A_147 {strides = array<i32>} : memref<16384xf32, #tpu.memory_space<vmem>>, vector<16xf32>,
        %parallel_loop3A_152 = arith.constant 640 : i32
        %parallel_loop3A_153 = vector.broadcast %parallel_loop3A_152 : i32 to vector<16xi32>
        %parallel_loop3A_154 = arith.addi %parallel_loop3A_102, %parallel_loop3A_153 : vector<16xi32>
        %parallel_loop3A_155 = tpu.vector_load_idx %arg7[%parallel_loop3A_154] : memref<16384xf32, #tpu.memory_space<vmem>>[vector<16xi32>], vector<16xf32>,
        %parallel_loop3A_156 = arith.constant 640 : i32
        %parallel_loop3A_157 = arith.addi %parallel_loop3A_111, %parallel_loop3A_156 : i32
        %parallel_loop3A_158 = arith.index_cast %parallel_loop3A_157 : i32 to index
        %parallel_loop3A_159 = tpu.vector_load %arg9[%parallel_loop3A_158] {strides = array<i32>} : memref<16384xf32, #tpu.memory_space<vmem>>, vector<16xf32>,
        tpu.vector_store %arg9[%parallel_loop3A_158], %parallel_loop3A_155 {strides = array<i32>} : memref<16384xf32, #tpu.memory_space<vmem>>, vector<16xf32>,
        %parallel_loop3A_160 = arith.constant 768 : i32
        %parallel_loop3A_161 = vector.broadcast %parallel_loop3A_160 : i32 to vector<16xi32>
        %parallel_loop3A_162 = arith.addi %parallel_loop3A_102, %parallel_loop3A_161 : vector<16xi32>
        %parallel_loop3A_163 = tpu.vector_load_idx %arg7[%parallel_loop3A_162] : memref<16384xf32, #tpu.memory_space<vmem>>[vector<16xi32>], vector<16xf32>,
        %parallel_loop3A_164 = arith.constant 768 : i32
        %parallel_loop3A_165 = arith.addi %parallel_loop3A_111, %parallel_loop3A_164 : i32
        %parallel_loop3A_166 = arith.index_cast %parallel_loop3A_165 : i32 to index
        %parallel_loop3A_167 = tpu.vector_load %arg9[%parallel_loop3A_166] {strides = array<i32>} : memref<16384xf32, #tpu.memory_space<vmem>>, vector<16xf32>,
        tpu.vector_store %arg9[%parallel_loop3A_166], %parallel_loop3A_163 {strides = array<i32>} : memref<16384xf32, #tpu.memory_space<vmem>>, vector<16xf32>,
        %parallel_loop3A_168 = arith.constant 896 : i32
        %parallel_loop3A_169 = vector.broadcast %parallel_loop3A_168 : i32 to vector<16xi32>
        %parallel_loop3A_170 = arith.addi %parallel_loop3A_102, %parallel_loop3A_169 : vector<16xi32>
        %parallel_loop3A_171 = tpu.vector_load_idx %arg7[%parallel_loop3A_170] : memref<16384xf32, #tpu.memory_space<vmem>>[vector<16xi32>], vector<16xf32>,
        %parallel_loop3A_172 = arith.constant 896 : i32
        %parallel_loop3A_173 = arith.addi %parallel_loop3A_111, %parallel_loop3A_172 : i32
        %parallel_loop3A_174 = arith.index_cast %parallel_loop3A_173 : i32 to index
        %parallel_loop3A_175 = tpu.vector_load %arg9[%parallel_loop3A_174] {strides = array<i32>} : memref<16384xf32, #tpu.memory_space<vmem>>, vector<16xf32>,
        tpu.vector_store %arg9[%parallel_loop3A_174], %parallel_loop3A_171 {strides = array<i32>} : memref<16384xf32, #tpu.memory_space<vmem>>, vector<16xf32>,
      } {sc.loop_unroll_factor = 8 : i64, sc.parallel_access}
      %add3A_57 = arith.addi %mul3A_2, %add3A_38 : i32
      %dma_start3A_58 = arith.constant 0 : i32
      %dma_start3A_59 = tpu.memref_slice %arg4[%add3A_57, %dma_start3A_58] : memref<2048x16384xf32, #tpu.memory_space<hbm>> -> memref<1x16384xf32, #tpu.memory_space<hbm>>
      %dma_start3A_60 = tpu.memref_squeeze %dma_start3A_59 : memref<1x16384xf32, #tpu.memory_space<hbm>> -> memref<16384xf32, #tpu.memory_space<hbm>>
      %dma_start3A_61 = arith.constant 0 : i32
      %dma_start3A_62 = tpu.memref_slice %arg4[%add3A_57, %dma_start3A_61] : memref<2048x16384xf32, #tpu.memory_space<hbm>> -> memref<1x16384xf32, #tpu.memory_space<hbm>>
      %dma_start3A_63 = tpu.memref_squeeze %dma_start3A_62 : memref<1x16384xf32, #tpu.memory_space<hbm>> -> memref<16384xf32, #tpu.memory_space<hbm>>
      tpu.enqueue_dma source(%arg9 : memref<16384xf32, #tpu.memory_space<vmem>>) target(%dma_start3A_63 : memref<16384xf32, #tpu.memory_space<hbm>>) target_semaphore(%arg13 : memref<!tpu.dma_semaphore, #tpu.memory_space<semaphore_mem>>)
      %mul3A_64 = arith.constant 2 : i32
      %mul3A_65 = arith.muli %mul3A_64, %scan3A_33 : i32
      %add3A_66 = arith.constant 1 : i32
      %add3A_67 = arith.addi %mul3A_65, %add3A_66 : i32
      %add3A_68 = arith.addi %mul3A_2, %add3A_67 : i32
      %dma_wait3A_69 = arith.constant 0 : i32
      %dma_wait3A_70 = tpu.memref_slice %arg2[%add3A_68, %dma_wait3A_69] : memref<2048x16384xf32, #tpu.memory_space<hbm>> -> memref<1x16384xf32, #tpu.memory_space<hbm>>
      %dma_wait3A_71 = tpu.memref_squeeze %dma_wait3A_70 : memref<1x16384xf32, #tpu.memory_space<hbm>> -> memref<16384xf32, #tpu.memory_space<hbm>>
      %dma_wait3A_72 = arith.constant 0 : i32
      %dma_wait3A_73 = tpu.memref_slice %arg2[%add3A_68, %dma_wait3A_72] : memref<2048x16384xf32, #tpu.memory_space<hbm>> -> memref<1x16384xf32, #tpu.memory_space<hbm>>
      %dma_wait3A_74 = tpu.memref_squeeze %dma_wait3A_73 : memref<1x16384xf32, #tpu.memory_space<hbm>> -> memref<16384xf32, #tpu.memory_space<hbm>>
      tpu.wait_dma2 semaphore(%arg12 : memref<!tpu.dma_semaphore, #tpu.memory_space<semaphore_mem>>) src(%dma_wait3A_74 : memref<16384xf32, #tpu.memory_space<hbm>>) dst(%arg8 : memref<16384xf32, #tpu.memory_space<vmem>>)
      %add3A_75 = arith.constant 1 : i32
      %add3A_76 = arith.addi %add3A_67, %add3A_75 : i32
      %lt3A_77 = arith.constant 64 : i32
      %lt3A_78 = arith.cmpi slt, %add3A_76, %lt3A_77 : i32
      %convert_element_type3A_79 = arith.extui %lt3A_78 : i1 to i32
      %cond3A_80 = arith.constant 0 : i32
      %cond3A_81 = arith.cmpi ne, %convert_element_type3A_79, %cond3A_80 : i32
      scf.if %cond3A_81 {
        %add3A_98 = arith.constant 1 : i32
        %add3A_99 = arith.addi %add3A_67, %add3A_98 : i32
        %add3A_100 = arith.addi %mul3A_2, %add3A_99 : i32
        %dma_start3A_101 = arith.constant 0 : i32
        %dma_start3A_102 = tpu.memref_slice %arg2[%add3A_100, %dma_start3A_101] : memref<2048x16384xf32, #tpu.memory_space<hbm>> -> memref<1x16384xf32, #tpu.memory_space<hbm>>
        %dma_start3A_103 = tpu.memref_squeeze %dma_start3A_102 : memref<1x16384xf32, #tpu.memory_space<hbm>> -> memref<16384xf32, #tpu.memory_space<hbm>>
        %dma_start3A_104 = arith.constant 0 : i32
        %dma_start3A_105 = tpu.memref_slice %arg2[%add3A_100, %dma_start3A_104] : memref<2048x16384xf32, #tpu.memory_space<hbm>> -> memref<1x16384xf32, #tpu.memory_space<hbm>>
        %dma_start3A_106 = tpu.memref_squeeze %dma_start3A_105 : memref<1x16384xf32, #tpu.memory_space<hbm>> -> memref<16384xf32, #tpu.memory_space<hbm>>
        tpu.enqueue_dma source(%dma_start3A_106 : memref<16384xf32, #tpu.memory_space<hbm>>) target(%arg7 : memref<16384xf32, #tpu.memory_space<vmem>>) target_semaphore(%arg11 : memref<!tpu.dma_semaphore, #tpu.memory_space<semaphore_mem>>)
      } else {
      }
      %gt3A_82 = arith.constant 0 : i32
      %gt3A_83 = arith.cmpi sgt, %scan3A_33, %gt3A_82 : i32
      %convert_element_type3A_84 = arith.extui %gt3A_83 : i1 to i32
      %cond3A_85 = arith.constant 0 : i32
      %cond3A_86 = arith.cmpi ne, %convert_element_type3A_84, %cond3A_85 : i32
      scf.if %cond3A_86 {
        %sub3A = arith.constant 2 : i32
        %sub3A_98 = arith.subi %add3A_67, %sub3A : i32
        %add3A_99 = arith.addi %mul3A_2, %sub3A_98 : i32
        %dma_wait3A_100 = arith.constant 0 : i32
        %dma_wait3A_101 = tpu.memref_slice %arg4[%add3A_99, %dma_wait3A_100] : memref<2048x16384xf32, #tpu.memory_space<hbm>> -> memref<1x16384xf32, #tpu.memory_space<hbm>>
        %dma_wait3A_102 = tpu.memref_squeeze %dma_wait3A_101 : memref<1x16384xf32, #tpu.memory_space<hbm>> -> memref<16384xf32, #tpu.memory_space<hbm>>
        %dma_wait3A_103 = arith.constant 0 : i32
        %dma_wait3A_104 = tpu.memref_slice %arg4[%add3A_99, %dma_wait3A_103] : memref<2048x16384xf32, #tpu.memory_space<hbm>> -> memref<1x16384xf32, #tpu.memory_space<hbm>>
        %dma_wait3A_105 = tpu.memref_squeeze %dma_wait3A_104 : memref<1x16384xf32, #tpu.memory_space<hbm>> -> memref<16384xf32, #tpu.memory_space<hbm>>
        tpu.wait_dma2 semaphore(%arg14 : memref<!tpu.dma_semaphore, #tpu.memory_space<semaphore_mem>>) src(%arg10 : memref<16384xf32, #tpu.memory_space<vmem>>) dst(%dma_wait3A_105 : memref<16384xf32, #tpu.memory_space<hbm>>)
      } else {
      }
      %parallel_loop3A_87 = arith.constant 0 : i32
      %parallel_loop3A_88 = arith.constant 128 : i32
      %parallel_loop3A_89 = arith.constant 1 : i32
      scf.for %parallel_loop3A_98 = %parallel_loop3A_87 to %parallel_loop3A_88 step %parallel_loop3A_89  : i32 {
        %parallel_loop3A_99 = arith.constant 16 : i32
        %parallel_loop3A_100 = arith.muli %parallel_loop3A_98, %parallel_loop3A_99 : i32
        %parallel_loop3A_101 = arith.index_cast %parallel_loop3A_100 : i32 to index
        %parallel_loop3A_102 = tpu.vector_load %arg6[%parallel_loop3A_101] {strides = array<i32>} : memref<2048xi32, #tpu.memory_space<vmem>>, vector<16xi32>,
        %parallel_loop3A_103 = arith.constant 3 : i32
        %parallel_loop3A_104 = arith.shrsi %parallel_loop3A_98, %parallel_loop3A_103 : i32
        %parallel_loop3A_105 = arith.constant 10 : i32
        %parallel_loop3A_106 = arith.shli %parallel_loop3A_104, %parallel_loop3A_105 : i32
        %parallel_loop3A_107 = arith.constant 7 : i32
        %parallel_loop3A_108 = arith.andi %parallel_loop3A_98, %parallel_loop3A_107 : i32
        %parallel_loop3A_109 = arith.constant 16 : i32
        %parallel_loop3A_110 = arith.muli %parallel_loop3A_108, %parallel_loop3A_109 : i32
        %parallel_loop3A_111 = arith.ori %parallel_loop3A_106, %parallel_loop3A_110 : i32
        %parallel_loop3A_112 = arith.constant 0 : i32
        %parallel_loop3A_113 = vector.broadcast %parallel_loop3A_112 : i32 to vector<16xi32>
        %parallel_loop3A_114 = arith.addi %parallel_loop3A_102, %parallel_loop3A_113 : vector<16xi32>
        %parallel_loop3A_115 = tpu.vector_load_idx %arg8[%parallel_loop3A_114] : memref<16384xf32, #tpu.memory_space<vmem>>[vector<16xi32>], vector<16xf32>,
        %parallel_loop3A_116 = arith.constant 0 : i32
        %parallel_loop3A_117 = arith.addi %parallel_loop3A_111, %parallel_loop3A_116 : i32
        %parallel_loop3A_118 = arith.index_cast %parallel_loop3A_117 : i32 to index
        %parallel_loop3A_119 = tpu.vector_load %arg10[%parallel_loop3A_118] {strides = array<i32>} : memref<16384xf32, #tpu.memory_space<vmem>>, vector<16xf32>,
        tpu.vector_store %arg10[%parallel_loop3A_118], %parallel_loop3A_115 {strides = array<i32>} : memref<16384xf32, #tpu.memory_space<vmem>>, vector<16xf32>,
        %parallel_loop3A_120 = arith.constant 128 : i32
        %parallel_loop3A_121 = vector.broadcast %parallel_loop3A_120 : i32 to vector<16xi32>
        %parallel_loop3A_122 = arith.addi %parallel_loop3A_102, %parallel_loop3A_121 : vector<16xi32>
        %parallel_loop3A_123 = tpu.vector_load_idx %arg8[%parallel_loop3A_122] : memref<16384xf32, #tpu.memory_space<vmem>>[vector<16xi32>], vector<16xf32>,
        %parallel_loop3A_124 = arith.constant 128 : i32
        %parallel_loop3A_125 = arith.addi %parallel_loop3A_111, %parallel_loop3A_124 : i32
        %parallel_loop3A_126 = arith.index_cast %parallel_loop3A_125 : i32 to index
        %parallel_loop3A_127 = tpu.vector_load %arg10[%parallel_loop3A_126] {strides = array<i32>} : memref<16384xf32, #tpu.memory_space<vmem>>, vector<16xf32>,
        tpu.vector_store %arg10[%parallel_loop3A_126], %parallel_loop3A_123 {strides = array<i32>} : memref<16384xf32, #tpu.memory_space<vmem>>, vector<16xf32>,
        %parallel_loop3A_128 = arith.constant 256 : i32
        %parallel_loop3A_129 = vector.broadcast %parallel_loop3A_128 : i32 to vector<16xi32>
        %parallel_loop3A_130 = arith.addi %parallel_loop3A_102, %parallel_loop3A_129 : vector<16xi32>
        %parallel_loop3A_131 = tpu.vector_load_idx %arg8[%parallel_loop3A_130] : memref<16384xf32, #tpu.memory_space<vmem>>[vector<16xi32>], vector<16xf32>,
        %parallel_loop3A_132 = arith.constant 256 : i32
        %parallel_loop3A_133 = arith.addi %parallel_loop3A_111, %parallel_loop3A_132 : i32
        %parallel_loop3A_134 = arith.index_cast %parallel_loop3A_133 : i32 to index
        %parallel_loop3A_135 = tpu.vector_load %arg10[%parallel_loop3A_134] {strides = array<i32>} : memref<16384xf32, #tpu.memory_space<vmem>>, vector<16xf32>,
        tpu.vector_store %arg10[%parallel_loop3A_134], %parallel_loop3A_131 {strides = array<i32>} : memref<16384xf32, #tpu.memory_space<vmem>>, vector<16xf32>,
        %parallel_loop3A_136 = arith.constant 384 : i32
        %parallel_loop3A_137 = vector.broadcast %parallel_loop3A_136 : i32 to vector<16xi32>
        %parallel_loop3A_138 = arith.addi %parallel_loop3A_102, %parallel_loop3A_137 : vector<16xi32>
        %parallel_loop3A_139 = tpu.vector_load_idx %arg8[%parallel_loop3A_138] : memref<16384xf32, #tpu.memory_space<vmem>>[vector<16xi32>], vector<16xf32>,
        %parallel_loop3A_140 = arith.constant 384 : i32
        %parallel_loop3A_141 = arith.addi %parallel_loop3A_111, %parallel_loop3A_140 : i32
        %parallel_loop3A_142 = arith.index_cast %parallel_loop3A_141 : i32 to index
        %parallel_loop3A_143 = tpu.vector_load %arg10[%parallel_loop3A_142] {strides = array<i32>} : memref<16384xf32, #tpu.memory_space<vmem>>, vector<16xf32>,
        tpu.vector_store %arg10[%parallel_loop3A_142], %parallel_loop3A_139 {strides = array<i32>} : memref<16384xf32, #tpu.memory_space<vmem>>, vector<16xf32>,
        %parallel_loop3A_144 = arith.constant 512 : i32
        %parallel_loop3A_145 = vector.broadcast %parallel_loop3A_144 : i32 to vector<16xi32>
        %parallel_loop3A_146 = arith.addi %parallel_loop3A_102, %parallel_loop3A_145 : vector<16xi32>
        %parallel_loop3A_147 = tpu.vector_load_idx %arg8[%parallel_loop3A_146] : memref<16384xf32, #tpu.memory_space<vmem>>[vector<16xi32>], vector<16xf32>,
        %parallel_loop3A_148 = arith.constant 512 : i32
        %parallel_loop3A_149 = arith.addi %parallel_loop3A_111, %parallel_loop3A_148 : i32
        %parallel_loop3A_150 = arith.index_cast %parallel_loop3A_149 : i32 to index
        %parallel_loop3A_151 = tpu.vector_load %arg10[%parallel_loop3A_150] {strides = array<i32>} : memref<16384xf32, #tpu.memory_space<vmem>>, vector<16xf32>,
        tpu.vector_store %arg10[%parallel_loop3A_150], %parallel_loop3A_147 {strides = array<i32>} : memref<16384xf32, #tpu.memory_space<vmem>>, vector<16xf32>,
        %parallel_loop3A_152 = arith.constant 640 : i32
        %parallel_loop3A_153 = vector.broadcast %parallel_loop3A_152 : i32 to vector<16xi32>
        %parallel_loop3A_154 = arith.addi %parallel_loop3A_102, %parallel_loop3A_153 : vector<16xi32>
        %parallel_loop3A_155 = tpu.vector_load_idx %arg8[%parallel_loop3A_154] : memref<16384xf32, #tpu.memory_space<vmem>>[vector<16xi32>], vector<16xf32>,
        %parallel_loop3A_156 = arith.constant 640 : i32
        %parallel_loop3A_157 = arith.addi %parallel_loop3A_111, %parallel_loop3A_156 : i32
        %parallel_loop3A_158 = arith.index_cast %parallel_loop3A_157 : i32 to index
        %parallel_loop3A_159 = tpu.vector_load %arg10[%parallel_loop3A_158] {strides = array<i32>} : memref<16384xf32, #tpu.memory_space<vmem>>, vector<16xf32>,
        tpu.vector_store %arg10[%parallel_loop3A_158], %parallel_loop3A_155 {strides = array<i32>} : memref<16384xf32, #tpu.memory_space<vmem>>, vector<16xf32>,
        %parallel_loop3A_160 = arith.constant 768 : i32
        %parallel_loop3A_161 = vector.broadcast %parallel_loop3A_160 : i32 to vector<16xi32>
        %parallel_loop3A_162 = arith.addi %parallel_loop3A_102, %parallel_loop3A_161 : vector<16xi32>
        %parallel_loop3A_163 = tpu.vector_load_idx %arg8[%parallel_loop3A_162] : memref<16384xf32, #tpu.memory_space<vmem>>[vector<16xi32>], vector<16xf32>,
        %parallel_loop3A_164 = arith.constant 768 : i32
        %parallel_loop3A_165 = arith.addi %parallel_loop3A_111, %parallel_loop3A_164 : i32
        %parallel_loop3A_166 = arith.index_cast %parallel_loop3A_165 : i32 to index
        %parallel_loop3A_167 = tpu.vector_load %arg10[%parallel_loop3A_166] {strides = array<i32>} : memref<16384xf32, #tpu.memory_space<vmem>>, vector<16xf32>,
        tpu.vector_store %arg10[%parallel_loop3A_166], %parallel_loop3A_163 {strides = array<i32>} : memref<16384xf32, #tpu.memory_space<vmem>>, vector<16xf32>,
        %parallel_loop3A_168 = arith.constant 896 : i32
        %parallel_loop3A_169 = vector.broadcast %parallel_loop3A_168 : i32 to vector<16xi32>
        %parallel_loop3A_170 = arith.addi %parallel_loop3A_102, %parallel_loop3A_169 : vector<16xi32>
        %parallel_loop3A_171 = tpu.vector_load_idx %arg8[%parallel_loop3A_170] : memref<16384xf32, #tpu.memory_space<vmem>>[vector<16xi32>], vector<16xf32>,
        %parallel_loop3A_172 = arith.constant 896 : i32
        %parallel_loop3A_173 = arith.addi %parallel_loop3A_111, %parallel_loop3A_172 : i32
        %parallel_loop3A_174 = arith.index_cast %parallel_loop3A_173 : i32 to index
        %parallel_loop3A_175 = tpu.vector_load %arg10[%parallel_loop3A_174] {strides = array<i32>} : memref<16384xf32, #tpu.memory_space<vmem>>, vector<16xf32>,
        tpu.vector_store %arg10[%parallel_loop3A_174], %parallel_loop3A_171 {strides = array<i32>} : memref<16384xf32, #tpu.memory_space<vmem>>, vector<16xf32>,
      } {sc.loop_unroll_factor = 8 : i64, sc.parallel_access}
      %add3A_90 = arith.addi %mul3A_2, %add3A_67 : i32
      %dma_start3A_91 = arith.constant 0 : i32
      %dma_start3A_92 = tpu.memref_slice %arg4[%add3A_90, %dma_start3A_91] : memref<2048x16384xf32, #tpu.memory_space<hbm>> -> memref<1x16384xf32, #tpu.memory_space<hbm>>
      %dma_start3A_93 = tpu.memref_squeeze %dma_start3A_92 : memref<1x16384xf32, #tpu.memory_space<hbm>> -> memref<16384xf32, #tpu.memory_space<hbm>>
      %dma_start3A_94 = arith.constant 0 : i32
      %dma_start3A_95 = tpu.memref_slice %arg4[%add3A_90, %dma_start3A_94] : memref<2048x16384xf32, #tpu.memory_space<hbm>> -> memref<1x16384xf32, #tpu.memory_space<hbm>>
      %dma_start3A_96 = tpu.memref_squeeze %dma_start3A_95 : memref<1x16384xf32, #tpu.memory_space<hbm>> -> memref<16384xf32, #tpu.memory_space<hbm>>
      tpu.enqueue_dma source(%arg10 : memref<16384xf32, #tpu.memory_space<vmem>>) target(%dma_start3A_96 : memref<16384xf32, #tpu.memory_space<hbm>>) target_semaphore(%arg14 : memref<!tpu.dma_semaphore, #tpu.memory_space<semaphore_mem>>)
      %scan3A_97 = arith.constant 0 : i32
      scf.yield %scan3A_97 : i32
    }
    %scan3A_17 = arith.constant 32 : i32
    %add3A_18 = arith.constant 62 : i32
    %add3A_19 = arith.addi %mul3A_2, %add3A_18 : i32
    %dma_wait3A = arith.constant 0 : i32
    %dma_wait3A_20 = tpu.memref_slice %arg4[%add3A_19, %dma_wait3A] : memref<2048x16384xf32, #tpu.memory_space<hbm>> -> memref<1x16384xf32, #tpu.memory_space<hbm>>
    %dma_wait3A_21 = tpu.memref_squeeze %dma_wait3A_20 : memref<1x16384xf32, #tpu.memory_space<hbm>> -> memref<16384xf32, #tpu.memory_space<hbm>>
    %dma_wait3A_22 = arith.constant 0 : i32
    %dma_wait3A_23 = tpu.memref_slice %arg4[%add3A_19, %dma_wait3A_22] : memref<2048x16384xf32, #tpu.memory_space<hbm>> -> memref<1x16384xf32, #tpu.memory_space<hbm>>
    %dma_wait3A_24 = tpu.memref_squeeze %dma_wait3A_23 : memref<1x16384xf32, #tpu.memory_space<hbm>> -> memref<16384xf32, #tpu.memory_space<hbm>>
    tpu.wait_dma2 semaphore(%arg13 : memref<!tpu.dma_semaphore, #tpu.memory_space<semaphore_mem>>) src(%arg9 : memref<16384xf32, #tpu.memory_space<vmem>>) dst(%dma_wait3A_24 : memref<16384xf32, #tpu.memory_space<hbm>>)
    %add3A_25 = arith.constant 63 : i32
    %add3A_26 = arith.addi %mul3A_2, %add3A_25 : i32
    %dma_wait3A_27 = arith.constant 0 : i32
    %dma_wait3A_28 = tpu.memref_slice %arg4[%add3A_26, %dma_wait3A_27] : memref<2048x16384xf32, #tpu.memory_space<hbm>> -> memref<1x16384xf32, #tpu.memory_space<hbm>>
    %dma_wait3A_29 = tpu.memref_squeeze %dma_wait3A_28 : memref<1x16384xf32, #tpu.memory_space<hbm>> -> memref<16384xf32, #tpu.memory_space<hbm>>
    %dma_wait3A_30 = arith.constant 0 : i32
    %dma_wait3A_31 = tpu.memref_slice %arg4[%add3A_26, %dma_wait3A_30] : memref<2048x16384xf32, #tpu.memory_space<hbm>> -> memref<1x16384xf32, #tpu.memory_space<hbm>>
    %dma_wait3A_32 = tpu.memref_squeeze %dma_wait3A_31 : memref<1x16384xf32, #tpu.memory_space<hbm>> -> memref<16384xf32, #tpu.memory_space<hbm>>
    tpu.wait_dma2 semaphore(%arg14 : memref<!tpu.dma_semaphore, #tpu.memory_space<semaphore_mem>>) src(%arg10 : memref<16384xf32, #tpu.memory_space<vmem>>) dst(%dma_wait3A_32 : memref<16384xf32, #tpu.memory_space<hbm>>)
    return
  }
}

</mosaic_0001>

<sc_bundles>
// kernel: _permute.3.cloned.1.call-start
scs
__scs_entry_jumppad:
0x0: {  	(pc) =	sbr.rel $0x88, $3  }
0x1: {  	(tag) =	ssettag $0x0;
	lr =	simm.s32 $0x1  }
0x2: {  	[smem:$0x3F9F] =	sst lr;
	_ =	strace $0xD0000000  }
0x3: {  	_ = 	snop  }
0x4: {  	_ = 	snop  }
0x5: {  	_ = 	snop  }
0x6: {  	_ = 	snop  }
0x7: {  	_ = 	snop  }
__scs_overlays_trampoline_lowered:
0x8: {  	[smem:$0x3FAE] =	sst s0  }
0x9: {  	[smem:$0x3FAF] =	sst s1  }
0xa: {  	[smem:$0x3FB0] =	sst s2  }
0xb: {  	[smem:$0x3FB1] =	sst s3  }
0xc: {  	[smem:$0x3FB2] =	sst s4  }
0xd: {  	[smem:$0x3FB3] =	sst s5  }
0xe: {  	[smem:$0x3FB4] =	sst s6  }
0xf: {  	[smem:$0x3FB5] =	sst s7  }
0x10: {  	[smem:$0x3FB6] =	sst s8  }
0x11: {  	[smem:$0x3FB7] =	sst s9;
	s0 =	simm.s32 @!p0 $0x0  }
0x12: {  	s1 =	sld [smem:$0x3F9D];
	s0 =	simm.s32 @p0 $0x1  }
0x13: {  	[smem:$0x3FB8] =	sst s0;
	s0 =	simm.s32 @!p1 $0x0  }
0x14: {  	s2 =	sld [smem:$0x3F9C];
	s0 =	simm.s32 @p1 $0x1  }
0x15: {  	[smem:$0x3FB9] =	sst s0;
	s0 =	simm.s32 @!p2 $0x0  }
0x16: {  	s3 =	sld [smem:$0x3FDB];
	s0 =	simm.s32 @p2 $0x1  }
0x17: {  	s4 =	simm.s32 $0x1BF5;
	[smem:$0x3FBB] =	sst s0  }
0x18: {  	s0 =	sld [smem:$0x3F9E];
	_ =	swait.ge [sflag:s4], $0x0  }
0x19: {  	s7 =	sld [smem:$0x3F9F]  }
0x1a: {  	s8 =	sadd.s32 $0xFFFFE003, lr  }
0x1b: {  	s9 =	sadd.s32 $0xFFFFFEF7, lr;
	s5 =	simm.s32 $0xFFFFFFFF;
	p2 =	slt.u32 s8, $0xFFFFF086  }
0x1c: {  	p1 =	slt.u32 s9, $0xF7A;
	s5 =	simm.s32 @!p2 $0x0  }
0x1d: {  	s5 =	simm.s32 @p1 $0x1;
	p0 =	seq.s32 s7, s2  }
0x1e: {  	s7 =	smul.u32 @!p0 $0xF7A, s2;
	p2 =	seq.s32 @!p0 s5, $0x0  }
0x1f: {  	s9 =	smul.u32 $0xF7A, s1;
	s8 =	simm.s32 @!p0 $0x1BF5;
	p2 =	por !p2, p0  }
0x20: {  	[sflag:s8] =	ssyncset.s32 @!p0 $0xFFFFF086;
	s6 =	sadd.s32 @!p0 s3, s7;
	s7 =	simm.s32 @!p0 $0x108  }
0x21: {  	s3 =	sadd.s32 s3, s9;
	s6 =	sadd.s32 @!p0 $0x88, s6;
	s7 =	simm.s32 @p2 $0x1082  }
0x22: {  	[simem:s7], [sflag:s8] =	dma.local @!p0 [hbm:s6], $0xF7A  }
0x23: {  	s9 =	sor.u32 $0xD0000000, s2;
	s6 =	simm.s32 $0x108;
	_ =	swait.ge @!p0 [sflag:s8], $0x0  }
0x24: {  	s3 =	sadd.s32 $0x88, s3;
	s6 =	simm.s32 @!p1 $0x1082;
	[sflag:s4] =	ssyncset.s32 $0xFFFFF086  }
0x25: {  	[simem:s6], [sflag:s4] =	dma.local [hbm:s3], $0xF7A  }
0x26: {  	[smem:$0x3F9F] =	sst s1;
	(tag) =	ssettag s2;
	_ =	strace s9  }
0x27: {  	s1 =	sld [smem:$0x3FAF]  }
0x28: {  	s2 =	sld [smem:$0x3FB0]  }
0x29: {  	s4 =	sld [smem:$0x3FB2]  }
0x2a: {  	p0 =	seq.s32 s5, $0x0;
	s5 =	sld [smem:$0x3FB3]  }
0x2b: {  	s6 =	sld [smem:$0x3FB4]  }
0x2c: {  	s7 =	sld [smem:$0x3FB5]  }
0x2d: {  	s3 =	simm.s32 $0x108;
	s8 =	sld [smem:$0x3FB6]  }
0x2e: {  	s3 =	simm.s32 @!p0 $0x1082;
	s9 =	sld [smem:$0x3FB7]  }
0x2f: {  	lr =	sadd.s32 s0, s3;
	s0 =	sld [smem:$0x3FAE]  }
0x30: {  	s3 =	sld [smem:$0x3FB1]  }
0x31: {  	[smem:$0x3FBA] =	sst s10  }
0x32: {  	s10 =	sld [smem:$0x3FB8];
	_ =	sdelay $0x3  }
0x33: {  	p0 =	seq.s32 s10, $0x1;
	s10 =	sld [smem:$0x3FBA];
	_ =	sdelay $0x3  }
0x34: {  	[smem:$0x3FBA] =	sst s10  }
0x35: {  	s10 =	sld [smem:$0x3FB9];
	_ =	sdelay $0x3  }
0x36: {  	p1 =	seq.s32 s10, $0x1;
	s10 =	sld [smem:$0x3FBA];
	_ =	sdelay $0x3  }
0x37: {  	[smem:$0x3FBA] =	sst s10  }
0x38: {  	s10 =	sld [smem:$0x3FBB]  }
0x39: {  	_ = 	snop;
	(pc) =	sbr.ind lr, $3  }
0x3a: {  	_ = 	snop  }
0x3b: {  	_ = 	snop  }
0x3c: {  	p2 =	seq.s32 s10, $0x1;
	s10 =	sld [smem:$0x3FBA]  }
0x3d: {  	_ =	shalt  }
0x3e: {  	_ =	shalt  }
0x3f: {  	_ =	shalt  }
0x40: {  	_ =	shalt  }
0x41: {  	_ =	shalt  }
0x42: {  	_ =	shalt  }
0x43: {  	_ =	shalt  }
0x44: {  	_ =	shalt  }
0x45: {  	_ =	shalt  }
0x46: {  	_ =	shalt  }
0x47: {  	_ =	shalt  }
0x48: {  	_ =	shalt  }
0x49: {  	_ =	shalt  }
0x4a: {  	_ =	shalt  }
0x4b: {  	_ =	shalt  }
0x4c: {  	_ =	shalt  }
0x4d: {  	_ =	shalt  }
0x4e: {  	_ =	shalt  }
0x4f: {  	_ =	shalt  }
0x50: {  	_ =	shalt  }
0x51: {  	_ =	shalt  }
0x52: {  	_ =	shalt  }
0x53: {  	_ =	shalt  }
0x54: {  	_ =	shalt  }
0x55: {  	_ =	shalt  }
0x56: {  	_ =	shalt  }
0x57: {  	_ =	shalt  }
0x58: {  	_ =	shalt  }
0x59: {  	_ =	shalt  }
0x5a: {  	_ =	shalt  }
0x5b: {  	_ =	shalt  }
0x5c: {  	_ =	shalt  }
0x5d: {  	_ =	shalt  }
0x5e: {  	_ =	shalt  }
0x5f: {  	_ =	shalt  }
0x60: {  	_ =	shalt  }
0x61: {  	_ =	shalt  }
0x62: {  	_ =	shalt  }
0x63: {  	_ =	shalt  }
0x64: {  	_ =	shalt  }
0x65: {  	_ =	shalt  }
0x66: {  	_ =	shalt  }
0x67: {  	_ =	shalt  }
0x68: {  	_ =	shalt  }
0x69: {  	_ =	shalt  }
0x6a: {  	_ =	shalt  }
0x6b: {  	_ =	shalt  }
0x6c: {  	_ =	shalt  }
0x6d: {  	_ =	shalt  }
0x6e: {  	_ =	shalt  }
0x6f: {  	_ =	shalt  }
0x70: {  	_ =	shalt  }
0x71: {  	_ =	shalt  }
0x72: {  	_ =	shalt  }
0x73: {  	_ =	shalt  }
0x74: {  	_ =	shalt  }
0x75: {  	_ =	shalt  }
0x76: {  	_ =	shalt  }
0x77: {  	_ =	shalt  }
0x78: {  	_ =	shalt  }
0x79: {  	_ =	shalt  }
0x7a: {  	_ =	shalt  }
0x7b: {  	_ =	shalt  }
0x7c: {  	_ =	shalt  }
0x7d: {  	_ =	shalt  }
0x7e: {  	_ =	shalt  }
0x7f: {  	_ =	shalt  }
0x80: {  	_ =	shalt  }
0x81: {  	_ =	shalt  }
0x82: {  	_ =	shalt  }
0x83: {  	_ =	shalt  }
0x84: {  	_ =	shalt  }
0x85: {  	_ =	shalt  }
0x86: {  	_ =	shalt  }
0x87: {  	_ =	shalt  }
.Lfunc_end0:
.L_simem_size_0:
called_computation.1_lowered:
.L_overlay_start_0:
0x88: {  	s2 =	sld [smem:$0x3FD9]  }
0x89: {  	s3 =	sld [smem:$0x3FFE];
	_ =	sdelay $0x1  }
0x8a: {  	s1 =	srdreg.scid  }
0x8b: {  	s0 =	sand.u32 $0x1, s1  }
0x8c: {  	s17 =	sshll.u32 s0, $0xA;
	s2 =	sadd.s32 s3, s2  }
0x8d: {  	s2 =	sadd.s32 s2, s17  }
0x8e: {  	[smem:$0x3FC6] =	sst s2  }
0x8f: {  	_ = 	snop  }
0x90: {  	s2 =	sld [smem:$0x3FC8]  }
0x91: {  	s18 =	sld [smem:$0x3FD0];
	(tm) =	ssettm $0x1  }
0x92: {  	s4 =	sld [smem:$0x3FFB];
	_ =	sdelay $0x3  }
0x93: {  	_ =	strace s4  }
0x94: {  	s4 =	sld [smem:$0x3FFC];
	_ =	sdelay $0x3  }
0x95: {  	_ =	strace s4  }
0x96: {  	s4 =	sld [smem:$0x3FFD];
	_ =	sdelay $0x3  }
0x97: {  	_ =	strace s4  }
0x98: {  	_ =	strace $0x8FFFFFFF  }
0x99: {  	s19 =	sld [smem:$0x3FDB];
	_ =	sdelay $0x1  }
0x9a: {  	s5 =	simm.s32 $_scs_section_size  }
0x9b: {  	s6 =	simm.s32 $_size__tile_overlayer_lowered;
	s7 =	simm.s32 $_tile_overlayer_lowered  }
0x9c: {  	s22 =	simm.s32 $0x1BFF;
	s21 =	sshll.u32 s7, $0x1;
	s4 =	sadd.s32 s5, s19  }
0x9d: {  	s8 =	simm.s32 $0x0;
	s20 =	sshll.u32 s6, $0x1;
	s6 =	sadd.s32 s21, s4  }
0x9e: {  	[timem:s8], [sflag:s22] =	dma.local [hbm:s6], s20  }
0x9f: {  	_ =	swait.ge [sflag:s22], s20  }
0xa0: {  	s5 =	ssub.s32 $0x0, s20;
	[sflag:s22] =	ssyncset.done $0x0  }
0xa1: {  	[sflag:s22] =	ssyncadd.s32 s5;
	_ =	sdelay $0x1  }
0xa2: {  	s23 =	simm.s32 $0x1B8B  }
0xa3: {  	_ =	swait.ge [sflag:s23], $0x1  }
0xa4: {  	[sflag:s23] =	ssyncset.done $0x0  }
0xa5: {  	s25 =	simm.s32 $0x1B8E;
	s24 =	sld [smem:$0x3FFE];
	[sflag:s23] =	ssyncadd.s32 $0xFFFFFFFF  }
0xa6: {  	s26 =	simm.s32 $execute0_lowered;
	[smem:$0x3FD2] =	sst s25  }
0xa7: {  	s6 =	sshll.u32 s26, $0x1;
	_ =	strace $0x80000049;
	[dreg:$0x1] =	wrdreg $0xFFFFFFFF  }
0xa8: {  	s28 =	simm.s32 $_size_execute0_lowered;
	s4 =	sadd.s32 s4, s6;
	[dreg:$0x0] =	wrdreg $0x0  }
0xa9: {  	s6 =	sshll.u32 s28, $0x1;
	[dreg:$0x2] =	wrdreg s4  }
0xaa: {  	[dreg:$0x3] =	wrdreg s6  }
0xab: {  	[dreg:$0x4] =	wrdreg $0xC0  }
0xac: {  	_ =	task [dreg:s8], $0x5FFFF  }
0xad: {  	[dreg:$0x1] =	wrdreg $0xFFFFFFFF  }
0xae: {  	[dreg:$0x0] =	wrdreg $0x60  }
0xaf: {  	[dreg:$0x2] =	wrdreg s18  }
0xb0: {  	[dreg:$0x3] =	wrdreg s2  }
0xb1: {  	[dreg:$0x4] =	wrdreg s24  }
0xb2: {  	[dreg:$0x5] =	wrdreg $0x9  }
0xb3: {  	_ =	task.clear_ibuf [dreg:s8], $0x6FFFF;
	_ =	strace $0x90000049  }
0xb4: {  	s29 =	simm.s32 $0x9;
	_ =	strace $0x8000004B  }
0xb5: {  	_ =	swait.ge [sflag:s29], $0x1  }
0xb6: {  	[sflag:s29] =	ssyncadd.s32 $0xFFFFFFFF  }
0xb7: {  	_ =	strace $0x9000004B  }
0xb8: {  	_ =	sfence  }
0xb9: {  	s30 =	sld [smem:$0x0];
	_ =	sdelay $0x2  }
0xba: {  	s31 =	sshll.u32 s1, $0xD;
	s1 =	sshrl.u32 s1, $0x2  }
0xbb: {  	s3 =	sand.u32 $0x4000, s31;
	s1 =	sadd.s32 s1, s30  }
0xbc: {  	s0 =	sor.u32 s3, s0;
	s1 =	sshll.u32 s1, $0x11  }
0xbd: {  	s0 =	sor.u32 s1, s0  }
0xbe: {  	s0 =	sadd.s32 $0x8F2B, s0  }
0xbf: {  	[sflag:s0] =	ssyncadd.remote.s32 $0x1  }
0xc0: {  	_ =	sfence.sel $0xFFFF  }
0xc1: {  	[dreg:$0x0] =	wrdreg $0xFFFFFFFF;
	(pc) =	sbr.abs _section_cstart, $3  }
0xc2: {  	[dreg:$0x1] =	wrdreg $0xFFFFFFFF  }
0xc3: {  	_ =	task.clear_ibuf [dreg:s8], $0x2FFFF;
	_ =	strace $0x9FFFFFFF  }
0xc4: {  	(tm) =	ssettm $0x7FFFFFFF  }
0xc5: {  	_ =	shalt  }
tec
execute0_lowered:
.L_overlay_start_1:
0x0: {  	(tag) =	ssettag $0x1  }
0x1: {  	s1 =	rddreg [dreg:$0x0]  }
0x2: {  	s3 =	rddreg [dreg:$0x1]  }
0x3: {  	s6 =	rddreg [dreg:$0x2];
	s4 =	srdreg.scid  }
0x4: {  	s0 =	rddreg [dreg:$0x3];
	s2 =	stileid.u32;
	s10 =	simm.s32 $0x1000  }
0x5: {  	s11 =	simm.s32 $0x5;
	s12 =	simm.s32 $0x1;
	s13 =	simm.s32 $0x5000  }
0x6: {  	s14 =	simm.s32 $0x9000;
	s15 =	simm.s32 $0x2;
	s16 =	simm.s32 $0xD000  }
0x7: {  	s17 =	simm.s32 $0x3;
	s18 =	simm.s32 $0x4;
	s19 =	simm.s32 $0x0  }
0x8: {  	s5 =	sand.u32 $0x1, s4;
	s4 =	simm.s32 $0x0;
	s7 =	sshll.u32 s2, $0x7  }
0x9: {  	s6 =	sadd.s32 $0x800, s6;
	s8 =	sshll.u32 s5, $0x6;
	s9 =	ssub.s32 $0x2, s5  }
0xa: {  	[smem:$0x7FF] =	sst s4;
	s5 =	sor.u32 s8, s7;
	s31 =	sshrl.u32 s9, $0x1  }
0xb: {  	_ =	strace $0x8000004A;
	s8 =	sshll.u32 s5, $0xB;
	s9 =	ssub.s32 s9, s31  }
0xc: {  	s7 =	sadd.s32 s1, s8;
	s8 =	sor.u32 $0x2, s5;
	s9 =	smax.u32 s9, $0x1  }
.LBB2_1:
0xd: {  	[tilespmem:s10], [sflag:$0x1] =	stream.linear.gather [hbm4b:s7+s4], $0x4000, $0x38;
	[tilespmem:$0x11000] =	vst v63  }
0xe: {  	_ = 	snop  }
0xf: {  	[tilespmem:s4], [sflag:$0x5] =	stream.linear.gather [hbm4b:s3+s4], $0x800, $0x38;
	[tilespmem:$0x11000] =	vst v63  }
0x10: {  	_ =	swait.ge [sflag:s11], $0x800  }
0x11: {  	[sflag:s11] =	ssyncset.done $0x0  }
0x12: {  	s20 =	simm.s32 $0x20;
	[sflag:s11] =	ssyncadd.s32 $0xFFFFF800  }
0x13: {  	v1 =	vld [tilespmem:s20+$0x10]  }
0x14: {  	v3 =	vld [tilespmem:s20+$0xFFFFFFF0]  }
0x15: {  	v2 =	vld [tilespmem:s20+$0xFFFFFFE0]  }
0x16: {  	v4 =	vld [tilespmem:s20+$0x0];
	_ =	sdelay $0x1  }
0x17: {  	s21 =	simm.s32 $0x60  }
0x18: {  	v0 =	vld [tilespmem:s21+$0xFFFFFFF0];
	v5 =	vshll.u32 v1, $0x3  }
0x19: {  	v7 =	vshll.u32 v3, $0x3;
	v1 =	vand.u32 $0x7F, v1;
	v8 =	vshll.u32 v2, $0x3  }
0x1a: {  	v10 =	vand.u32 $0x7F, v4;
	v6 =	vand.u32 $0xFFFFFC00, v5;
	v5 =	vand.u32 $0x7F, v2;
	v2 =	vld [tilespmem:s21+$0x10]  }
0x1b: {  	v9 =	vor.u32 v1, v6;
	v6 =	vand.u32 $0xFFFFFC00, v8;
	v8 =	vshll.u32 v4, $0x3;
	v1 =	vld [tilespmem:s21+$0x0]  }
0x1c: {  	s20 =	simm.s32 $0x820;
	v11 =	vand.u32 $0x7F, v3;
	v7 =	vand.u32 $0xFFFFFC00, v7;
	v4 =	vld [tilespmem:s21+$0xFFFFFFE0];
	v12 =	vand.u32 $0xFFFFFC00, v8  }
0x1d: {  	s22 =	simm.s32 $0x4;
	s23 =	simm.s32 $0xA0;
	v3 =	vshll.u32 v0, $0x3;
	s21 =	simm.s32 $0x820;
	[tilespmem:s20+$0x10] =	vst v9;
	v8 =	vor.u32 v11, v7;
	v7 =	vor.u32 v10, v12  }
.LBB2_2:
0x1e: {  	s22 =	sadd.s32 $0x4, s22  }
0x1f: {  	v9 =	vld [tilespmem:s23+$0xFFFFFFF0];
	v11 =	vshll.u32 v2, $0x3;
	v5 =	vor.u32 v5, v6;
	[tilespmem:s20+$0xFFFFFFF0] =	vst v8;
	s21 =	sadd.s32 $0x40, s21;
	p0 =	slt.u32 s22, $0x7C  }
.Ltmp0:
0x20: {  	v8 =	vand.u32 $0x7F, v2;
	v6 =	vand.u32 $0xFFFFFC00, v11;
	v2 =	vld [tilespmem:s23+$0x10];
	[tilespmem:s20+$0xFFFFFFE0] =	vst v5;
	v10 =	vmov v1;
	(pc) =	sbr.rel @p0 .LBB2_2-.Ltmp0, $4  }
0x21: {  	v1 =	vld [tilespmem:s23+$0x0];
	v11 =	vshll.u32 v4, $0x3;
	v5 =	vand.u32 $0x7F, v4;
	v8 =	vor.u32 v8, v6;
	[tilespmem:s20+$0x0] =	vst v7;
	s20 =	smov.u32 s21  }
0x22: {  	v7 =	vshll.u32 v10, $0x3;
	v10 =	vand.u32 $0x7F, v10;
	v4 =	vld [tilespmem:s23+$0xFFFFFFE0];
	v6 =	vand.u32 $0xFFFFFC00, v11;
	[tilespmem:s21+$0x10] =	vst v8  }
0x23: {  	v8 =	vand.u32 $0xFFFFFC00, v3;
	v11 =	vand.u32 $0x7F, v0;
	v7 =	vand.u32 $0xFFFFFC00, v7  }
0x24: {  	s23 =	sadd.s32 $0x40, s23;
	v8 =	vor.u32 v11, v8;
	v7 =	vor.u32 v10, v7;
	v3 =	vshll.u32 v9, $0x3;
	v0 =	vmovc v9  }
0x25: {  	v9 =	vshll.u32 v2, $0x3;
	v5 =	vor.u32 v5, v6;
	[tilespmem:s20+$0xFFFFFFF0] =	vst v8;
	v56 =	vand.u32 $0x7F, v2  }
0x26: {  	[tilespmem:s20+$0x0] =	vst v7;
	v3 =	vand.u32 $0xFFFFFC00, v3;
	v0 =	vand.u32 $0x7F, v0;
	v55 =	vand.u32 $0xFFFFFC00, v9  }
0x27: {  	s21 =	sadd.s32 $0x40, s21;
	[tilespmem:s20+$0xFFFFFFE0] =	vst v5;
	v59 =	vshll.u32 v1, $0x3;
	v0 =	vor.u32 v0, v3;
	v60 =	vand.u32 $0x7F, v1  }
0x28: {  	v57 =	vshll.u32 v4, $0x3;
	v2 =	vor.u32 v56, v55;
	v61 =	vand.u32 $0xFFFFFC00, v59;
	[tilespmem:s21+$0xFFFFFFF0] =	vst v0  }
0x29: {  	v58 =	vand.u32 $0x7F, v4;
	v5 =	vand.u32 $0xFFFFFC00, v57;
	[tilespmem:s21+$0x10] =	vst v2;
	v63 =	vor.u32 v60, v61  }
0x2a: {  	v62 =	vor.u32 v58, v5;
	[tilespmem:s21+$0x0] =	vst v63  }
0x2b: {  	s20 =	simm.s32 $0x0;
	[tilespmem:s21+$0xFFFFFFE0] =	vst v62  }
.LBB2_4:
0x2c: {  	s22 =	sshll.u32 s20, $0x1  }
0x2d: {  	s21 =	sor.u32 s22, s5  }
0x2e: {  	_ =	swait.ge [sflag:s12], $0x4000;
	s21 =	sshll.u32 s21, $0xB  }
0x2f: {  	[sflag:s12] =	ssyncset.done $0x0;
	s21 =	sor.u32 $0x800, s21  }
0x30: {  	p0 =	seq.s32 s20, $0x0;
	[sflag:s12] =	ssyncadd.s32 $0xFFFFC000;
	s23 =	sadd.s32 s1, s21  }
0x31: {  	[tilespmem:s13], [sflag:$0x2] =	stream.linear.gather [hbm4b:s23+s4], $0x4000, $0x38;
	[tilespmem:$0x11000] =	vst v63  }
0x32: {  	s23 =	simm.s32 @!p0 $0x3  }
0x33: {  	_ =	swait.ge @!p0 [sflag:s23], $0x4000  }
0x34: {  	[sflag:s23] =	ssyncset.done @!p0 $0x0  }
0x35: {  	s31 =	simm.s32 $0x840;
	[sflag:s23] =	ssyncadd.s32 @!p0 $0xFFFFC000  }
0x36: {  	v7 =	vld [tilespmem:s31+$0x30]  }
0x37: {  	v5 =	vld [tilespmem:s31+$0xFFFFFFD0]  }
0x38: {  	v4 =	vld [tilespmem:s31+$0xFFFFFFE0]  }
0x39: {  	v3 =	vld [tilespmem:s31+$0xFFFFFFF0]  }
0x3a: {  	v2 =	vld [tilespmem:s31+$0x0]  }
0x3b: {  	v1 =	vld [tilespmem:s31+$0x10]  }
0x3c: {  	v0 =	vld [tilespmem:s31+$0x20]  }
0x3d: {  	v6 =	vld [tilespmem:s31+$0xFFFFFFC0]  }
0x3e: {  	v8 =	vld.idx.msk [tilespmem:v7+s10+$0x0], $0xffff  }
0x3f: {  	v9 =	vld.idx.msk [tilespmem:v5+s10+$0x0], $0xffff  }
0x40: {  	v10 =	vld.idx.msk [tilespmem:v4+s10+$0x0], $0xffff  }
0x41: {  	v11 =	vadd.s32 $0x80, v7;
	v12 =	vld.idx.msk [tilespmem:v3+s10+$0x0], $0xffff  }
0x42: {  	v13 =	vadd.s32 $0x80, v5;
	v14 =	vld.idx.msk [tilespmem:v2+s10+$0x0], $0xffff  }
0x43: {  	s23 =	simm.s32 $0x9200;
	v15 =	vadd.s32 $0x80, v4;
	v16 =	vld.idx.msk [tilespmem:v1+s10+$0x0], $0xffff  }
0x44: {  	v17 =	vadd.s32 $0x80, v3;
	v18 =	vld.idx.msk [tilespmem:v0+s10+$0x0], $0xffff;
	[tilespmem:s23+$0xFFFFFE70] =	vst v8  }
0x45: {  	v55 =	vadd.s32 $0x80, v1;
	v19 =	vld.idx.msk [tilespmem:v6+s10+$0x0], $0xffff;
	[tilespmem:s23+$0xFFFFFE10] =	vst v9  }
0x46: {  	v58 =	vadd.s32 $0x80, v6;
	[tilespmem:s23+$0xFFFFFE20] =	vst v10;
	v54 =	vld.idx.msk [tilespmem:v11+s10+$0x0], $0xffff  }
0x47: {  	v59 =	vadd.s32 $0x80, v0;
	[tilespmem:s23+$0xFFFFFE30] =	vst v12;
	v56 =	vld.idx.msk [tilespmem:v13+s10+$0x0], $0xffff  }
0x48: {  	v8 =	vadd.s32 $0x80, v2;
	[tilespmem:s23+$0xFFFFFE40] =	vst v14;
	v15 =	vld.idx.msk [tilespmem:v15+s10+$0x0], $0xffff  }
0x49: {  	v57 =	vadd.s32 $0x100, v7;
	[tilespmem:s23+$0xFFFFFE50] =	vst v16;
	v17 =	vld.idx.msk [tilespmem:v17+s10+$0x0], $0xffff  }
0x4a: {  	v60 =	vadd.s32 $0x100, v5;
	[tilespmem:s23+$0xFFFFFE00] =	vst v19;
	v11 =	vld.idx.msk [tilespmem:v55+s10+$0x0], $0xffff  }
0x4b: {  	v61 =	vadd.s32 $0x100, v4;
	[tilespmem:s23+$0xFFFFFE60] =	vst v18;
	v13 =	vld.idx.msk [tilespmem:v58+s10+$0x0], $0xffff  }
0x4c: {  	v62 =	vadd.s32 $0x100, v3;
	v21 =	vld.idx.msk [tilespmem:v59+s10+$0x0], $0xffff;
	[tilespmem:s23+$0xFFFFFEF0] =	vst v54  }
0x4d: {  	v23 =	vadd.s32 $0x100, v6;
	v8 =	vld.idx.msk [tilespmem:v8+s10+$0x0], $0xffff;
	[tilespmem:s23+$0xFFFFFE90] =	vst v56  }
0x4e: {  	v24 =	vadd.s32 $0x100, v1;
	[tilespmem:s23+$0xFFFFFEA0] =	vst v15;
	v12 =	vld.idx.msk [tilespmem:v57+s10+$0x0], $0xffff  }
0x4f: {  	v63 =	vadd.s32 $0x100, v2;
	[tilespmem:s23+$0xFFFFFEB0] =	vst v17;
	v16 =	vld.idx.msk [tilespmem:v60+s10+$0x0], $0xffff  }
0x50: {  	v22 =	vadd.s32 $0x180, v7;
	[tilespmem:s23+$0xFFFFFED0] =	vst v11;
	v18 =	vld.idx.msk [tilespmem:v61+s10+$0x0], $0xffff  }
0x51: {  	v25 =	vadd.s32 $0x180, v5;
	[tilespmem:s23+$0xFFFFFE80] =	vst v13;
	v9 =	vld.idx.msk [tilespmem:v62+s10+$0x0], $0xffff  }
0x52: {  	v26 =	vadd.s32 $0x180, v4;
	[tilespmem:s23+$0xFFFFFEE0] =	vst v21;
	v15 =	vld.idx.msk [tilespmem:v23+s10+$0x0], $0xffff  }
0x53: {  	v28 =	vadd.s32 $0x180, v3;
	v29 =	vld.idx.msk [tilespmem:v24+s10+$0x0], $0xffff;
	[tilespmem:s23+$0xFFFFFEC0] =	vst v8  }
0x54: {  	v31 =	vadd.s32 $0x180, v6;
	v19 =	vld.idx.msk [tilespmem:v63+s10+$0x0], $0xffff;
	[tilespmem:s23+$0xFFFFFF70] =	vst v12  }
0x55: {  	v33 =	vadd.s32 $0x180, v1;
	[tilespmem:s23+$0xFFFFFF10] =	vst v16;
	v27 =	vld.idx.msk [tilespmem:v22+s10+$0x0], $0xffff  }
0x56: {  	v8 =	vadd.s32 $0x100, v0;
	[tilespmem:s23+$0xFFFFFF20] =	vst v18;
	v11 =	vld.idx.msk [tilespmem:v25+s10+$0x0], $0xffff  }
0x57: {  	v32 =	vadd.s32 $0x180, v2;
	[tilespmem:s23+$0xFFFFFF30] =	vst v9;
	v12 =	vld.idx.msk [tilespmem:v26+s10+$0x0], $0xffff  }
0x58: {  	v30 =	vadd.s32 $0x200, v7;
	[tilespmem:s23+$0xFFFFFF00] =	vst v15;
	v14 =	vld.idx.msk [tilespmem:v28+s10+$0x0], $0xffff  }
0x59: {  	v35 =	vadd.s32 $0x200, v5;
	[tilespmem:s23+$0xFFFFFF50] =	vst v29;
	v17 =	vld.idx.msk [tilespmem:v31+s10+$0x0], $0xffff  }
0x5a: {  	v37 =	vadd.s32 $0x200, v4;
	v9 =	vld.idx.msk [tilespmem:v33+s10+$0x0], $0xffff;
	[tilespmem:s23+$0xFFFFFF40] =	vst v19  }
0x5b: {  	v39 =	vadd.s32 $0x200, v6;
	v8 =	vld.idx.msk [tilespmem:v8+s10+$0x0], $0xffff;
	[tilespmem:s23+$0xFFFFFFF0] =	vst v27  }
0x5c: {  	v40 =	vadd.s32 $0x200, v3;
	v38 =	vld.idx.msk [tilespmem:v32+s10+$0x0], $0xffff;
	[tilespmem:s23+$0xFFFFFF90] =	vst v11  }
0x5d: {  	v43 =	vadd.s32 $0x200, v1;
	[tilespmem:s23+$0xFFFFFFA0] =	vst v12;
	v36 =	vld.idx.msk [tilespmem:v30+s10+$0x0], $0xffff  }
0x5e: {  	v34 =	vadd.s32 $0x180, v0;
	[tilespmem:s23+$0xFFFFFFB0] =	vst v14;
	v13 =	vld.idx.msk [tilespmem:v35+s10+$0x0], $0xffff  }
0x5f: {  	v42 =	vadd.s32 $0x200, v2;
	[tilespmem:s23+$0xFFFFFF80] =	vst v17;
	v16 =	vld.idx.msk [tilespmem:v37+s10+$0x0], $0xffff  }
0x60: {  	v18 =	vld.idx.msk [tilespmem:v39+s10+$0x0], $0xffff;
	[tilespmem:s23+$0xFFFFFF60] =	vst v8;
	v8 =	vadd.s32 $0x280, v7  }
0x61: {  	v45 =	vadd.s32 $0x280, v5;
	[tilespmem:s23+$0xFFFFFFD0] =	vst v9;
	v46 =	vld.idx.msk [tilespmem:v40+s10+$0x0], $0xffff  }
0x62: {  	v48 =	vadd.s32 $0x280, v6;
	v50 =	vld.idx.msk [tilespmem:v43+s10+$0x0], $0xffff;
	[tilespmem:s23+$0xFFFFFFC0] =	vst v38  }
0x63: {  	v49 =	vadd.s32 $0x280, v4;
	v41 =	vld.idx.msk [tilespmem:v34+s10+$0x0], $0xffff;
	[tilespmem:s23+$0x70] =	vst v36  }
0x64: {  	v44 =	vadd.s32 $0x200, v0;
	v19 =	vld.idx.msk [tilespmem:v42+s10+$0x0], $0xffff;
	[tilespmem:s23+$0x10] =	vst v13  }
0x65: {  	v51 =	vadd.s32 $0x280, v3;
	[tilespmem:s23+$0x20] =	vst v16;
	v8 =	vld.idx.msk [tilespmem:v8+s10+$0x0], $0xffff  }
0x66: {  	v47 =	vadd.s32 $0x300, v7;
	[tilespmem:s23+$0x0] =	vst v18;
	v17 =	vld.idx.msk [tilespmem:v45+s10+$0x0], $0xffff  }
0x67: {  	v52 =	vadd.s32 $0x280, v2;
	[tilespmem:s23+$0x30] =	vst v46;
	v11 =	vld.idx.msk [tilespmem:v48+s10+$0x0], $0xffff  }
0x68: {  	v55 =	vadd.s32 $0x300, v6;
	v54 =	vld.idx.msk [tilespmem:v49+s10+$0x0], $0xffff;
	[tilespmem:s23+$0xFFFFFFE0] =	vst v41  }
0x69: {  	v56 =	vadd.s32 $0x300, v5;
	[tilespmem:s23+$0x50] =	vst v50;
	v15 =	vld.idx.msk [tilespmem:v44+s10+$0x0], $0xffff  }
0x6a: {  	v53 =	vadd.s32 $0x280, v0;
	v14 =	vld.idx.msk [tilespmem:v51+s10+$0x0], $0xffff;
	[tilespmem:s23+$0xF0] =	vst v8  }
0x6b: {  	[tilespmem:s23+$0x40] =	vst v19;
	v8 =	vadd.s32 $0x280, v1;
	v9 =	vld.idx.msk [tilespmem:v47+s10+$0x0], $0xffff  }
0x6c: {  	v7 =	vadd.s32 $0x380, v7;
	v16 =	vld.idx.msk [tilespmem:v52+s10+$0x0], $0xffff;
	[tilespmem:s23+$0x80] =	vst v11  }
0x6d: {  	v57 =	vadd.s32 $0x300, v4;
	[tilespmem:s23+$0x90] =	vst v17;
	v12 =	vld.idx.msk [tilespmem:v55+s10+$0x0], $0xffff  }
0x6e: {  	v58 =	vadd.s32 $0x300, v3;
	v13 =	vld.idx.msk [tilespmem:v56+s10+$0x0], $0xffff;
	[tilespmem:s23+$0x60] =	vst v15  }
0x6f: {  	v59 =	vadd.s32 $0x300, v2;
	[tilespmem:s23+$0xA0] =	vst v54;
	v18 =	vld.idx.msk [tilespmem:v53+s10+$0x0], $0xffff  }
0x70: {  	v6 =	vadd.s32 $0x380, v6;
	v8 =	vld.idx.msk [tilespmem:v8+s10+$0x0], $0xffff;
	[tilespmem:s23+$0x170] =	vst v9  }
0x71: {  	v60 =	vadd.s32 $0x300, v1;
	[tilespmem:s23+$0xB0] =	vst v14;
	v7 =	vld.idx.msk [tilespmem:v7+s10+$0x0], $0xffff  }
0x72: {  	v61 =	vadd.s32 $0x300, v0;
	v62 =	vld.idx.msk [tilespmem:v57+s10+$0x0], $0xffff;
	[tilespmem:s23+$0xC0] =	vst v16  }
0x73: {  	v5 =	vadd.s32 $0x380, v5;
	v63 =	vld.idx.msk [tilespmem:v58+s10+$0x0], $0xffff;
	[tilespmem:s23+$0x100] =	vst v12  }
0x74: {  	v3 =	vadd.s32 $0x380, v3;
	v9 =	vld.idx.msk [tilespmem:v59+s10+$0x0], $0xffff;
	[tilespmem:s23+$0xE0] =	vst v18  }
0x75: {  	v12 =	vld.idx.msk [tilespmem:v6+s10+$0x0], $0xffff;
	[tilespmem:s23+$0xD0] =	vst v8;
	v8 =	vadd.s32 $0x380, v4  }
0x76: {  	v11 =	vld.idx.msk [tilespmem:v60+s10+$0x0], $0xffff;
	[tilespmem:s23+$0x1F0] =	vst v7;
	v7 =	vadd.s32 $0x380, v2  }
0x77: {  	v1 =	vadd.s32 $0x380, v1;
	[tilespmem:s23+$0x110] =	vst v13;
	v10 =	vld.idx.msk [tilespmem:v61+s10+$0x0], $0xffff  }
0x78: {  	v0 =	vadd.s32 $0x380, v0;
	[tilespmem:s23+$0x130] =	vst v63;
	v4 =	vld.idx.msk [tilespmem:v5+s10+$0x0], $0xffff  }
0x79: {  	[tilespmem:s23+$0x120] =	vst v62;
	v2 =	vld.idx.msk [tilespmem:v3+s10+$0x0], $0xffff  }
0x7a: {  	[tilespmem:s23+$0x140] =	vst v9;
	v5 =	vld.idx.msk [tilespmem:v8+s10+$0x0], $0xffff  }
0x7b: {  	[tilespmem:s23+$0x150] =	vst v11;
	v6 =	vld.idx.msk [tilespmem:v7+s10+$0x0], $0xffff  }
0x7c: {  	[tilespmem:s23+$0x160] =	vst v10;
	v3 =	vld.idx.msk [tilespmem:v1+s10+$0x0], $0xffff  }
0x7d: {  	s25 =	simm.s32 $0x0;
	s26 =	simm.s32 $0x8C0;
	s24 =	sadd.s32 s5, s22;
	[tilespmem:s23+$0x180] =	vst v12;
	v1 =	vld.idx.msk [tilespmem:v0+s10+$0x0], $0xffff  }
.LBB2_5:
0x7e: {  	v0 =	vld [tilespmem:s26+$0x30];
	s25 =	sadd.s32 $0x8, s25;
	[tilespmem:s23+$0x190] =	vst v4  }
0x7f: {  	v7 =	vld [tilespmem:s26+$0xFFFFFFD0];
	p0 =	slt.u32 s25, $0x78;
	[tilespmem:s23+$0x1A0] =	vst v5  }
0x80: {  	v5 =	vld [tilespmem:s26+$0xFFFFFFE0];
	[tilespmem:s23+$0x1B0] =	vst v2  }
0x81: {  	v2 =	vld [tilespmem:s26+$0xFFFFFFF0];
	[tilespmem:s23+$0x1C0] =	vst v6  }
0x82: {  	v6 =	vld [tilespmem:s26+$0x0];
	[tilespmem:s23+$0x1D0] =	vst v3  }
0x83: {  	v3 =	vld [tilespmem:s26+$0x10];
	[tilespmem:s23+$0x1E0] =	vst v1  }
0x84: {  	v1 =	vadd.s32 $0x80, v7;
	v21 =	vadd.s32 $0x100, v7;
	v22 =	vadd.s32 $0x180, v7;
	v23 =	vld [tilespmem:s26+$0x20]  }
0x85: {  	v4 =	vld [tilespmem:s26+$0xFFFFFFC0];
	v8 =	vadd.s32 $0x80, v5;
	v24 =	vadd.s32 $0x100, v5;
	v25 =	vadd.s32 $0x180, v5  }
0x86: {  	v9 =	vadd.s32 $0x80, v2;
	v26 =	vadd.s32 $0x100, v2;
	v27 =	vadd.s32 $0x180, v2;
	v10 =	vld.idx.msk [tilespmem:v0+s10+$0x0], $0xffff  }
0x87: {  	v11 =	vld.idx.msk [tilespmem:v7+s10+$0x0], $0xffff;
	v12 =	vadd.s32 $0x80, v6;
	v28 =	vadd.s32 $0x100, v6;
	v29 =	vadd.s32 $0x180, v6  }
0x88: {  	v14 =	vadd.s32 $0x80, v0;
	v13 =	vld.idx.msk [tilespmem:v5+s10+$0x0], $0xffff;
	v30 =	vadd.s32 $0x80, v3;
	v31 =	vadd.s32 $0x100, v3  }
0x89: {  	v32 =	vadd.s32 $0x180, v3;
	v16 =	vld.idx.msk [tilespmem:v2+s10+$0x0], $0xffff;
	v33 =	vadd.s32 $0x80, v23;
	v34 =	vadd.s32 $0x100, v23  }
0x8a: {  	v35 =	vadd.s32 $0x80, v4;
	v36 =	vadd.s32 $0x100, v4;
	v37 =	vadd.s32 $0x180, v4;
	v20 =	vld.idx.msk [tilespmem:v6+s10+$0x0], $0xffff  }
0x8b: {  	s23 =	sadd.s32 $0x400, s23;
	v39 =	vadd.s32 $0x200, v7;
	v41 =	vadd.s32 $0x180, v23;
	v38 =	vadd.s32 $0x200, v4;
	v40 =	vld.idx.msk [tilespmem:v3+s10+$0x0], $0xffff  }
0x8c: {  	v42 =	vadd.s32 $0x200, v5;
	v43 =	vadd.s32 $0x200, v2;
	v44 =	vadd.s32 $0x200, v6;
	v45 =	vld.idx.msk [tilespmem:v23+s10+$0x0], $0xffff;
	[tilespmem:s23+$0xFFFFFE70] =	vst v10  }
0x8d: {  	v46 =	vadd.s32 $0x200, v3;
	v47 =	vadd.s32 $0x200, v23;
	v15 =	vadd.s32 $0x280, v4;
	[tilespmem:s23+$0xFFFFFE10] =	vst v11;
	v48 =	vld.idx.msk [tilespmem:v14+s10+$0x0], $0xffff  }
0x8e: {  	v50 =	vadd.s32 $0x280, v7;
	v19 =	vadd.s32 $0x280, v5;
	v17 =	vadd.s32 $0x280, v2;
	v49 =	vld.idx.msk [tilespmem:v4+s10+$0x0], $0xffff;
	[tilespmem:s23+$0xFFFFFE20] =	vst v13  }
0x8f: {  	v52 =	vadd.s32 $0x100, v0;
	v18 =	vadd.s32 $0x280, v6;
	v51 =	vld.idx.msk [tilespmem:v1+s10+$0x0], $0xffff;
	[tilespmem:s23+$0xFFFFFE30] =	vst v16;
	v16 =	vadd.s32 $0x280, v3  }
0x90: {  	v10 =	vadd.s32 $0x300, v7;
	v13 =	vadd.s32 $0x300, v4;
	v53 =	vld.idx.msk [tilespmem:v8+s10+$0x0], $0xffff;
	[tilespmem:s23+$0xFFFFFE40] =	vst v20;
	v20 =	vadd.s32 $0x280, v23  }
0x91: {  	v14 =	vadd.s32 $0x300, v5;
	v11 =	vadd.s32 $0x300, v2;
	v8 =	vadd.s32 $0x300, v6;
	v54 =	vld.idx.msk [tilespmem:v9+s10+$0x0], $0xffff;
	[tilespmem:s23+$0xFFFFFE50] =	vst v40  }
0x92: {  	v4 =	vadd.s32 $0x380, v4;
	v9 =	vadd.s32 $0x300, v23;
	v40 =	vld.idx.msk [tilespmem:v12+s10+$0x0], $0xffff;
	v12 =	vadd.s32 $0x300, v3;
	[tilespmem:s23+$0xFFFFFE60] =	vst v45  }
0x93: {  	v7 =	vadd.s32 $0x380, v7;
	v5 =	vadd.s32 $0x380, v5;
	v2 =	vadd.s32 $0x380, v2;
	v30 =	vld.idx.msk [tilespmem:v30+s10+$0x0], $0xffff;
	[tilespmem:s23+$0xFFFFFEF0] =	vst v48  }
0x94: {  	v1 =	vadd.s32 $0x380, v23;
	v6 =	vadd.s32 $0x380, v6;
	v3 =	vadd.s32 $0x380, v3;
	[tilespmem:s23+$0xFFFFFE00] =	vst v49;
	v23 =	vld.idx.msk [tilespmem:v52+s10+$0x0], $0xffff  }
0x95: {  	v35 =	vld.idx.msk [tilespmem:v35+s10+$0x0], $0xffff;
	[tilespmem:s23+$0xFFFFFE90] =	vst v51  }
0x96: {  	v45 =	vadd.s32 $0x180, v0;
	[tilespmem:s23+$0xFFFFFEA0] =	vst v53;
	v33 =	vld.idx.msk [tilespmem:v33+s10+$0x0], $0xffff  }
0x97: {  	v21 =	vld.idx.msk [tilespmem:v21+s10+$0x0], $0xffff;
	[tilespmem:s23+$0xFFFFFEB0] =	vst v54  }
0x98: {  	v24 =	vld.idx.msk [tilespmem:v24+s10+$0x0], $0xffff;
	[tilespmem:s23+$0xFFFFFEC0] =	vst v40  }
0x99: {  	v26 =	vld.idx.msk [tilespmem:v26+s10+$0x0], $0xffff;
	[tilespmem:s23+$0xFFFFFED0] =	vst v30  }
0x9a: {  	v28 =	vld.idx.msk [tilespmem:v28+s10+$0x0], $0xffff;
	[tilespmem:s23+$0xFFFFFF70] =	vst v23  }
0x9b: {  	[tilespmem:s23+$0xFFFFFE80] =	vst v35;
	v23 =	vld.idx.msk [tilespmem:v45+s10+$0x0], $0xffff  }
0x9c: {  	v30 =	vld.idx.msk [tilespmem:v36+s10+$0x0], $0xffff;
	[tilespmem:s23+$0xFFFFFEE0] =	vst v33  }
0x9d: {  	[tilespmem:s23+$0xFFFFFF10] =	vst v21;
	v21 =	vld.idx.msk [tilespmem:v31+s10+$0x0], $0xffff;
	v31 =	vadd.s32 $0x200, v0  }
0x9e: {  	[tilespmem:s23+$0xFFFFFF20] =	vst v24;
	v24 =	vld.idx.msk [tilespmem:v34+s10+$0x0], $0xffff  }
0x9f: {  	v22 =	vld.idx.msk [tilespmem:v22+s10+$0x0], $0xffff;
	[tilespmem:s23+$0xFFFFFF30] =	vst v26  }
0xa0: {  	v25 =	vld.idx.msk [tilespmem:v25+s10+$0x0], $0xffff;
	[tilespmem:s23+$0xFFFFFF40] =	vst v28  }
0xa1: {  	v26 =	vld.idx.msk [tilespmem:v27+s10+$0x0], $0xffff;
	[tilespmem:s23+$0xFFFFFFF0] =	vst v23  }
0xa2: {  	[tilespmem:s23+$0xFFFFFF00] =	vst v30;
	v23 =	vld.idx.msk [tilespmem:v31+s10+$0x0], $0xffff  }
0xa3: {  	v27 =	vld.idx.msk [tilespmem:v37+s10+$0x0], $0xffff;
	[tilespmem:s23+$0xFFFFFF50] =	vst v21  }
0xa4: {  	v21 =	vld.idx.msk [tilespmem:v29+s10+$0x0], $0xffff;
	[tilespmem:s23+$0xFFFFFF60] =	vst v24;
	v24 =	vadd.s32 $0x280, v0  }
0xa5: {  	[tilespmem:s23+$0xFFFFFF90] =	vst v22;
	v22 =	vld.idx.msk [tilespmem:v32+s10+$0x0], $0xffff  }
0xa6: {  	[tilespmem:s23+$0xFFFFFFA0] =	vst v25;
	v25 =	vld.idx.msk [tilespmem:v41+s10+$0x0], $0xffff  }
0xa7: {  	v28 =	vld.idx.msk [tilespmem:v39+s10+$0x0], $0xffff;
	[tilespmem:s23+$0xFFFFFFB0] =	vst v26  }
0xa8: {  	v26 =	vld.idx.msk [tilespmem:v42+s10+$0x0], $0xffff;
	[tilespmem:s23+$0x70] =	vst v23  }
0xa9: {  	[tilespmem:s23+$0xFFFFFF80] =	vst v27;
	v23 =	vld.idx.msk [tilespmem:v24+s10+$0x0], $0xffff  }
0xaa: {  	v24 =	vld.idx.msk [tilespmem:v38+s10+$0x0], $0xffff;
	[tilespmem:s23+$0xFFFFFFC0] =	vst v21  }
0xab: {  	v21 =	vld.idx.msk [tilespmem:v43+s10+$0x0], $0xffff;
	[tilespmem:s23+$0xFFFFFFD0] =	vst v22;
	v22 =	vadd.s32 $0x300, v0  }
0xac: {  	v27 =	vld.idx.msk [tilespmem:v44+s10+$0x0], $0xffff;
	[tilespmem:s23+$0xFFFFFFE0] =	vst v25  }
0xad: {  	[tilespmem:s23+$0x10] =	vst v28;
	v25 =	vld.idx.msk [tilespmem:v46+s10+$0x0], $0xffff  }
0xae: {  	[tilespmem:s23+$0x20] =	vst v26;
	v26 =	vld.idx.msk [tilespmem:v47+s10+$0x0], $0xffff  }
0xaf: {  	v28 =	vld.idx.msk [tilespmem:v50+s10+$0x0], $0xffff;
	[tilespmem:s23+$0xF0] =	vst v23  }
0xb0: {  	[tilespmem:s23+$0x0] =	vst v24;
	v22 =	vld.idx.msk [tilespmem:v22+s10+$0x0], $0xffff  }
0xb1: {  	v15 =	vld.idx.msk [tilespmem:v15+s10+$0x0], $0xffff;
	[tilespmem:s23+$0x30] =	vst v21  }
0xb2: {  	v0 =	vadd.s32 $0x380, v0;
	v19 =	vld.idx.msk [tilespmem:v19+s10+$0x0], $0xffff;
	[tilespmem:s23+$0x40] =	vst v27  }
0xb3: {  	v17 =	vld.idx.msk [tilespmem:v17+s10+$0x0], $0xffff;
	[tilespmem:s23+$0x50] =	vst v25  }
0xb4: {  	v18 =	vld.idx.msk [tilespmem:v18+s10+$0x0], $0xffff;
	[tilespmem:s23+$0x60] =	vst v26  }
0xb5: {  	[tilespmem:s23+$0x90] =	vst v28;
	v16 =	vld.idx.msk [tilespmem:v16+s10+$0x0], $0xffff  }
0xb6: {  	v20 =	vld.idx.msk [tilespmem:v20+s10+$0x0], $0xffff;
	[tilespmem:s23+$0x170] =	vst v22  }
0xb7: {  	[tilespmem:s23+$0x80] =	vst v15;
	v0 =	vld.idx.msk [tilespmem:v0+s10+$0x0], $0xffff  }
0xb8: {  	v13 =	vld.idx.msk [tilespmem:v13+s10+$0x0], $0xffff;
	[tilespmem:s23+$0xA0] =	vst v19  }
0xb9: {  	v10 =	vld.idx.msk [tilespmem:v10+s10+$0x0], $0xffff;
	[tilespmem:s23+$0xB0] =	vst v17  }
0xba: {  	v14 =	vld.idx.msk [tilespmem:v14+s10+$0x0], $0xffff;
	[tilespmem:s23+$0xC0] =	vst v18  }
0xbb: {  	v11 =	vld.idx.msk [tilespmem:v11+s10+$0x0], $0xffff;
	[tilespmem:s23+$0xD0] =	vst v16  }
0xbc: {  	v8 =	vld.idx.msk [tilespmem:v8+s10+$0x0], $0xffff;
	[tilespmem:s23+$0xE0] =	vst v20  }
0xbd: {  	v12 =	vld.idx.msk [tilespmem:v12+s10+$0x0], $0xffff;
	[tilespmem:s23+$0x1F0] =	vst v0  }
0xbe: {  	[tilespmem:s23+$0x100] =	vst v13;
	v0 =	vld.idx.msk [tilespmem:v9+s10+$0x0], $0xffff  }
0xbf: {  	v9 =	vld.idx.msk [tilespmem:v4+s10+$0x0], $0xffff;
	[tilespmem:s23+$0x110] =	vst v10  }
0xc0: {  	v4 =	vld.idx.msk [tilespmem:v7+s10+$0x0], $0xffff;
	[tilespmem:s23+$0x120] =	vst v14  }
.Ltmp1:
0xc1: {  	v5 =	vld.idx.msk [tilespmem:v5+s10+$0x0], $0xffff;
	[tilespmem:s23+$0x130] =	vst v11;
	(pc) =	sbr.rel @p0 .LBB2_5-.Ltmp1, $4  }
0xc2: {  	v2 =	vld.idx.msk [tilespmem:v2+s10+$0x0], $0xffff;
	[tilespmem:s23+$0x140] =	vst v8  }
0xc3: {  	v6 =	vld.idx.msk [tilespmem:v6+s10+$0x0], $0xffff;
	[tilespmem:s23+$0x150] =	vst v12  }
0xc4: {  	v3 =	vld.idx.msk [tilespmem:v3+s10+$0x0], $0xffff;
	[tilespmem:s23+$0x160] =	vst v0  }
0xc5: {  	s26 =	sadd.s32 $0x80, s26;
	[tilespmem:s23+$0x180] =	vst v9;
	v1 =	vld.idx.msk [tilespmem:v1+s10+$0x0], $0xffff  }
0xc6: {  	[tilespmem:s23+$0x190] =	vst v4  }
0xc7: {  	[tilespmem:s23+$0x1A0] =	vst v5  }
0xc8: {  	[tilespmem:s23+$0x1B0] =	vst v2  }
0xc9: {  	[tilespmem:s23+$0x1C0] =	vst v6  }
0xca: {  	s24 =	sshll.u32 s24, $0xB;
	[tilespmem:s23+$0x1D0] =	vst v3  }
0xcb: {  	p0 =	seq.s32 s20, $0x1F;
	s30 =	sadd.s32 s6, s24;
	[tilespmem:s23+$0x1E0] =	vst v1  }
0xcc: {  	[hbm4b:s30+s4] =	stream.linear.scatter [tilespmem:s14], [sflag:$0x3], $0x4000, $0x38;
	[tilespmem:$0x11000] =	vst v63  }
0xcd: {  	s22 =	sadd.s32 @!p0 s22, s8;
	p1 =	seq.s32 @!p0 s20, $0x0;
	_ =	swait.ge [sflag:s15], $0x4000  }
0xce: {  	s24 =	simm.s32 @!p0 $0x1000;
	s22 =	sshll.u32 @!p0 s22, $0xB;
	[sflag:s15] =	ssyncset.done $0x0  }
0xcf: {  	s22 =	sadd.s32 @!p0 s1, s22;
	s23 =	simm.s32 @!p0 $0x0;
	[sflag:s15] =	ssyncadd.s32 $0xFFFFC000  }
0xd0: {  	[tilespmem:s24], [sflag:$0x1] =	stream.linear.gather @!p0 [hbm4b:s22+s23], $0x4000, $0x38;
	[tilespmem:$0x11000] =	vst v63  }
0xd1: {  	p0 =	por p0, !p1  }
0xd2: {  	_ =	swait.ge @p0 [sflag:s18], $0x4000  }
0xd3: {  	[sflag:s18] =	ssyncset.done @p0 $0x0  }
0xd4: {  	s31 =	simm.s32 $0x840;
	[sflag:s18] =	ssyncadd.s32 @p0 $0xFFFFC000  }
0xd5: {  	v7 =	vld [tilespmem:s31+$0x30]  }
0xd6: {  	v5 =	vld [tilespmem:s31+$0xFFFFFFD0]  }
0xd7: {  	v4 =	vld [tilespmem:s31+$0xFFFFFFE0]  }
0xd8: {  	v3 =	vld [tilespmem:s31+$0xFFFFFFF0]  }
0xd9: {  	v2 =	vld [tilespmem:s31+$0x0]  }
0xda: {  	v1 =	vld [tilespmem:s31+$0x10]  }
0xdb: {  	v0 =	vld [tilespmem:s31+$0x20]  }
0xdc: {  	v6 =	vld [tilespmem:s31+$0xFFFFFFC0]  }
0xdd: {  	v8 =	vld.idx.msk [tilespmem:v7+s13+$0x0], $0xffff  }
0xde: {  	v9 =	vld.idx.msk [tilespmem:v5+s13+$0x0], $0xffff  }
0xdf: {  	v10 =	vld.idx.msk [tilespmem:v4+s13+$0x0], $0xffff  }
0xe0: {  	v11 =	vadd.s32 $0x80, v7;
	v12 =	vld.idx.msk [tilespmem:v3+s13+$0x0], $0xffff  }
0xe1: {  	v13 =	vadd.s32 $0x80, v5;
	v14 =	vld.idx.msk [tilespmem:v2+s13+$0x0], $0xffff  }
0xe2: {  	s22 =	simm.s32 $0xD200;
	v15 =	vadd.s32 $0x80, v4;
	v16 =	vld.idx.msk [tilespmem:v1+s13+$0x0], $0xffff  }
0xe3: {  	v17 =	vadd.s32 $0x80, v3;
	v18 =	vld.idx.msk [tilespmem:v0+s13+$0x0], $0xffff;
	[tilespmem:s22+$0xFFFFFE70] =	vst v8  }
0xe4: {  	v55 =	vadd.s32 $0x80, v1;
	v19 =	vld.idx.msk [tilespmem:v6+s13+$0x0], $0xffff;
	[tilespmem:s22+$0xFFFFFE10] =	vst v9  }
0xe5: {  	v58 =	vadd.s32 $0x80, v6;
	[tilespmem:s22+$0xFFFFFE20] =	vst v10;
	v54 =	vld.idx.msk [tilespmem:v11+s13+$0x0], $0xffff  }
0xe6: {  	v59 =	vadd.s32 $0x80, v0;
	[tilespmem:s22+$0xFFFFFE30] =	vst v12;
	v56 =	vld.idx.msk [tilespmem:v13+s13+$0x0], $0xffff  }
0xe7: {  	v8 =	vadd.s32 $0x80, v2;
	[tilespmem:s22+$0xFFFFFE40] =	vst v14;
	v15 =	vld.idx.msk [tilespmem:v15+s13+$0x0], $0xffff  }
0xe8: {  	v57 =	vadd.s32 $0x100, v7;
	[tilespmem:s22+$0xFFFFFE50] =	vst v16;
	v17 =	vld.idx.msk [tilespmem:v17+s13+$0x0], $0xffff  }
0xe9: {  	v60 =	vadd.s32 $0x100, v5;
	[tilespmem:s22+$0xFFFFFE00] =	vst v19;
	v11 =	vld.idx.msk [tilespmem:v55+s13+$0x0], $0xffff  }
0xea: {  	v61 =	vadd.s32 $0x100, v4;
	[tilespmem:s22+$0xFFFFFE60] =	vst v18;
	v13 =	vld.idx.msk [tilespmem:v58+s13+$0x0], $0xffff  }
0xeb: {  	v62 =	vadd.s32 $0x100, v3;
	v21 =	vld.idx.msk [tilespmem:v59+s13+$0x0], $0xffff;
	[tilespmem:s22+$0xFFFFFEF0] =	vst v54  }
0xec: {  	v23 =	vadd.s32 $0x100, v6;
	v8 =	vld.idx.msk [tilespmem:v8+s13+$0x0], $0xffff;
	[tilespmem:s22+$0xFFFFFE90] =	vst v56  }
0xed: {  	v24 =	vadd.s32 $0x100, v1;
	[tilespmem:s22+$0xFFFFFEA0] =	vst v15;
	v12 =	vld.idx.msk [tilespmem:v57+s13+$0x0], $0xffff  }
0xee: {  	v63 =	vadd.s32 $0x100, v2;
	[tilespmem:s22+$0xFFFFFEB0] =	vst v17;
	v16 =	vld.idx.msk [tilespmem:v60+s13+$0x0], $0xffff  }
0xef: {  	v22 =	vadd.s32 $0x180, v7;
	[tilespmem:s22+$0xFFFFFED0] =	vst v11;
	v18 =	vld.idx.msk [tilespmem:v61+s13+$0x0], $0xffff  }
0xf0: {  	v25 =	vadd.s32 $0x180, v5;
	[tilespmem:s22+$0xFFFFFE80] =	vst v13;
	v9 =	vld.idx.msk [tilespmem:v62+s13+$0x0], $0xffff  }
0xf1: {  	v26 =	vadd.s32 $0x180, v4;
	[tilespmem:s22+$0xFFFFFEE0] =	vst v21;
	v15 =	vld.idx.msk [tilespmem:v23+s13+$0x0], $0xffff  }
0xf2: {  	v28 =	vadd.s32 $0x180, v3;
	v29 =	vld.idx.msk [tilespmem:v24+s13+$0x0], $0xffff;
	[tilespmem:s22+$0xFFFFFEC0] =	vst v8  }
0xf3: {  	v31 =	vadd.s32 $0x180, v6;
	v19 =	vld.idx.msk [tilespmem:v63+s13+$0x0], $0xffff;
	[tilespmem:s22+$0xFFFFFF70] =	vst v12  }
0xf4: {  	v33 =	vadd.s32 $0x180, v1;
	[tilespmem:s22+$0xFFFFFF10] =	vst v16;
	v27 =	vld.idx.msk [tilespmem:v22+s13+$0x0], $0xffff  }
0xf5: {  	v8 =	vadd.s32 $0x100, v0;
	[tilespmem:s22+$0xFFFFFF20] =	vst v18;
	v11 =	vld.idx.msk [tilespmem:v25+s13+$0x0], $0xffff  }
0xf6: {  	v32 =	vadd.s32 $0x180, v2;
	[tilespmem:s22+$0xFFFFFF30] =	vst v9;
	v12 =	vld.idx.msk [tilespmem:v26+s13+$0x0], $0xffff  }
0xf7: {  	v30 =	vadd.s32 $0x200, v7;
	[tilespmem:s22+$0xFFFFFF00] =	vst v15;
	v14 =	vld.idx.msk [tilespmem:v28+s13+$0x0], $0xffff  }
0xf8: {  	v35 =	vadd.s32 $0x200, v5;
	[tilespmem:s22+$0xFFFFFF50] =	vst v29;
	v17 =	vld.idx.msk [tilespmem:v31+s13+$0x0], $0xffff  }
0xf9: {  	v37 =	vadd.s32 $0x200, v4;
	v9 =	vld.idx.msk [tilespmem:v33+s13+$0x0], $0xffff;
	[tilespmem:s22+$0xFFFFFF40] =	vst v19  }
0xfa: {  	v39 =	vadd.s32 $0x200, v6;
	v8 =	vld.idx.msk [tilespmem:v8+s13+$0x0], $0xffff;
	[tilespmem:s22+$0xFFFFFFF0] =	vst v27  }
0xfb: {  	v40 =	vadd.s32 $0x200, v3;
	v38 =	vld.idx.msk [tilespmem:v32+s13+$0x0], $0xffff;
	[tilespmem:s22+$0xFFFFFF90] =	vst v11  }
0xfc: {  	v43 =	vadd.s32 $0x200, v1;
	[tilespmem:s22+$0xFFFFFFA0] =	vst v12;
	v36 =	vld.idx.msk [tilespmem:v30+s13+$0x0], $0xffff  }
0xfd: {  	v34 =	vadd.s32 $0x180, v0;
	[tilespmem:s22+$0xFFFFFFB0] =	vst v14;
	v13 =	vld.idx.msk [tilespmem:v35+s13+$0x0], $0xffff  }
0xfe: {  	v42 =	vadd.s32 $0x200, v2;
	[tilespmem:s22+$0xFFFFFF80] =	vst v17;
	v16 =	vld.idx.msk [tilespmem:v37+s13+$0x0], $0xffff  }
0xff: {  	v18 =	vld.idx.msk [tilespmem:v39+s13+$0x0], $0xffff;
	[tilespmem:s22+$0xFFFFFF60] =	vst v8;
	v8 =	vadd.s32 $0x280, v7  }
0x100: {  	v45 =	vadd.s32 $0x280, v5;
	[tilespmem:s22+$0xFFFFFFD0] =	vst v9;
	v46 =	vld.idx.msk [tilespmem:v40+s13+$0x0], $0xffff  }
0x101: {  	v48 =	vadd.s32 $0x280, v6;
	v50 =	vld.idx.msk [tilespmem:v43+s13+$0x0], $0xffff;
	[tilespmem:s22+$0xFFFFFFC0] =	vst v38  }
0x102: {  	v49 =	vadd.s32 $0x280, v4;
	v41 =	vld.idx.msk [tilespmem:v34+s13+$0x0], $0xffff;
	[tilespmem:s22+$0x70] =	vst v36  }
0x103: {  	v44 =	vadd.s32 $0x200, v0;
	v19 =	vld.idx.msk [tilespmem:v42+s13+$0x0], $0xffff;
	[tilespmem:s22+$0x10] =	vst v13  }
0x104: {  	v51 =	vadd.s32 $0x280, v3;
	[tilespmem:s22+$0x20] =	vst v16;
	v8 =	vld.idx.msk [tilespmem:v8+s13+$0x0], $0xffff  }
0x105: {  	v47 =	vadd.s32 $0x300, v7;
	[tilespmem:s22+$0x0] =	vst v18;
	v17 =	vld.idx.msk [tilespmem:v45+s13+$0x0], $0xffff  }
0x106: {  	v52 =	vadd.s32 $0x280, v2;
	[tilespmem:s22+$0x30] =	vst v46;
	v11 =	vld.idx.msk [tilespmem:v48+s13+$0x0], $0xffff  }
0x107: {  	v55 =	vadd.s32 $0x300, v6;
	v54 =	vld.idx.msk [tilespmem:v49+s13+$0x0], $0xffff;
	[tilespmem:s22+$0xFFFFFFE0] =	vst v41  }
0x108: {  	v56 =	vadd.s32 $0x300, v5;
	[tilespmem:s22+$0x50] =	vst v50;
	v15 =	vld.idx.msk [tilespmem:v44+s13+$0x0], $0xffff  }
0x109: {  	v53 =	vadd.s32 $0x280, v0;
	v14 =	vld.idx.msk [tilespmem:v51+s13+$0x0], $0xffff;
	[tilespmem:s22+$0xF0] =	vst v8  }
0x10a: {  	[tilespmem:s22+$0x40] =	vst v19;
	v8 =	vadd.s32 $0x280, v1;
	v9 =	vld.idx.msk [tilespmem:v47+s13+$0x0], $0xffff  }
0x10b: {  	v7 =	vadd.s32 $0x380, v7;
	v16 =	vld.idx.msk [tilespmem:v52+s13+$0x0], $0xffff;
	[tilespmem:s22+$0x80] =	vst v11  }
0x10c: {  	v57 =	vadd.s32 $0x300, v4;
	[tilespmem:s22+$0x90] =	vst v17;
	v12 =	vld.idx.msk [tilespmem:v55+s13+$0x0], $0xffff  }
0x10d: {  	v58 =	vadd.s32 $0x300, v3;
	v13 =	vld.idx.msk [tilespmem:v56+s13+$0x0], $0xffff;
	[tilespmem:s22+$0x60] =	vst v15  }
0x10e: {  	v59 =	vadd.s32 $0x300, v2;
	[tilespmem:s22+$0xA0] =	vst v54;
	v18 =	vld.idx.msk [tilespmem:v53+s13+$0x0], $0xffff  }
0x10f: {  	v6 =	vadd.s32 $0x380, v6;
	v8 =	vld.idx.msk [tilespmem:v8+s13+$0x0], $0xffff;
	[tilespmem:s22+$0x170] =	vst v9  }
0x110: {  	v60 =	vadd.s32 $0x300, v1;
	[tilespmem:s22+$0xB0] =	vst v14;
	v7 =	vld.idx.msk [tilespmem:v7+s13+$0x0], $0xffff  }
0x111: {  	v61 =	vadd.s32 $0x300, v0;
	v62 =	vld.idx.msk [tilespmem:v57+s13+$0x0], $0xffff;
	[tilespmem:s22+$0xC0] =	vst v16  }
0x112: {  	v5 =	vadd.s32 $0x380, v5;
	v63 =	vld.idx.msk [tilespmem:v58+s13+$0x0], $0xffff;
	[tilespmem:s22+$0x100] =	vst v12  }
0x113: {  	v3 =	vadd.s32 $0x380, v3;
	v9 =	vld.idx.msk [tilespmem:v59+s13+$0x0], $0xffff;
	[tilespmem:s22+$0xE0] =	vst v18  }
0x114: {  	v12 =	vld.idx.msk [tilespmem:v6+s13+$0x0], $0xffff;
	[tilespmem:s22+$0xD0] =	vst v8;
	v8 =	vadd.s32 $0x380, v4  }
0x115: {  	v11 =	vld.idx.msk [tilespmem:v60+s13+$0x0], $0xffff;
	[tilespmem:s22+$0x1F0] =	vst v7;
	v7 =	vadd.s32 $0x380, v2  }
0x116: {  	v1 =	vadd.s32 $0x380, v1;
	[tilespmem:s22+$0x110] =	vst v13;
	v10 =	vld.idx.msk [tilespmem:v61+s13+$0x0], $0xffff  }
0x117: {  	v0 =	vadd.s32 $0x380, v0;
	[tilespmem:s22+$0x130] =	vst v63;
	v4 =	vld.idx.msk [tilespmem:v5+s13+$0x0], $0xffff  }
0x118: {  	[tilespmem:s22+$0x120] =	vst v62;
	v2 =	vld.idx.msk [tilespmem:v3+s13+$0x0], $0xffff  }
0x119: {  	[tilespmem:s22+$0x140] =	vst v9;
	v5 =	vld.idx.msk [tilespmem:v8+s13+$0x0], $0xffff  }
0x11a: {  	[tilespmem:s22+$0x150] =	vst v11;
	v6 =	vld.idx.msk [tilespmem:v7+s13+$0x0], $0xffff  }
0x11b: {  	[tilespmem:s22+$0x160] =	vst v10;
	v3 =	vld.idx.msk [tilespmem:v1+s13+$0x0], $0xffff  }
0x11c: {  	s23 =	simm.s32 $0x0;
	s24 =	simm.s32 $0x8C0;
	[tilespmem:s22+$0x180] =	vst v12;
	v1 =	vld.idx.msk [tilespmem:v0+s13+$0x0], $0xffff  }
.LBB2_7:
0x11d: {  	v0 =	vld [tilespmem:s24+$0x30];
	s23 =	sadd.s32 $0x8, s23;
	[tilespmem:s22+$0x190] =	vst v4  }
0x11e: {  	v7 =	vld [tilespmem:s24+$0xFFFFFFD0];
	p0 =	slt.u32 s23, $0x78;
	[tilespmem:s22+$0x1A0] =	vst v5  }
0x11f: {  	v5 =	vld [tilespmem:s24+$0xFFFFFFE0];
	[tilespmem:s22+$0x1B0] =	vst v2  }
0x120: {  	v2 =	vld [tilespmem:s24+$0xFFFFFFF0];
	[tilespmem:s22+$0x1C0] =	vst v6  }
0x121: {  	v6 =	vld [tilespmem:s24+$0x0];
	[tilespmem:s22+$0x1D0] =	vst v3  }
0x122: {  	v3 =	vld [tilespmem:s24+$0x10];
	[tilespmem:s22+$0x1E0] =	vst v1  }
0x123: {  	v1 =	vadd.s32 $0x80, v7;
	v21 =	vadd.s32 $0x100, v7;
	v22 =	vadd.s32 $0x180, v7;
	v23 =	vld [tilespmem:s24+$0x20]  }
0x124: {  	v4 =	vld [tilespmem:s24+$0xFFFFFFC0];
	v8 =	vadd.s32 $0x80, v5;
	v24 =	vadd.s32 $0x100, v5;
	v25 =	vadd.s32 $0x180, v5  }
0x125: {  	v9 =	vadd.s32 $0x80, v2;
	v26 =	vadd.s32 $0x100, v2;
	v27 =	vadd.s32 $0x180, v2;
	v10 =	vld.idx.msk [tilespmem:v0+s13+$0x0], $0xffff  }
0x126: {  	v11 =	vld.idx.msk [tilespmem:v7+s13+$0x0], $0xffff;
	v12 =	vadd.s32 $0x80, v6;
	v28 =	vadd.s32 $0x100, v6;
	v29 =	vadd.s32 $0x180, v6  }
0x127: {  	v14 =	vadd.s32 $0x80, v0;
	v13 =	vld.idx.msk [tilespmem:v5+s13+$0x0], $0xffff;
	v30 =	vadd.s32 $0x80, v3;
	v31 =	vadd.s32 $0x100, v3  }
0x128: {  	v32 =	vadd.s32 $0x180, v3;
	v16 =	vld.idx.msk [tilespmem:v2+s13+$0x0], $0xffff;
	v33 =	vadd.s32 $0x80, v23;
	v34 =	vadd.s32 $0x100, v23  }
0x129: {  	v35 =	vadd.s32 $0x80, v4;
	v36 =	vadd.s32 $0x100, v4;
	v37 =	vadd.s32 $0x180, v4;
	v20 =	vld.idx.msk [tilespmem:v6+s13+$0x0], $0xffff  }
0x12a: {  	s22 =	sadd.s32 $0x400, s22;
	v39 =	vadd.s32 $0x200, v7;
	v41 =	vadd.s32 $0x180, v23;
	v38 =	vadd.s32 $0x200, v4;
	v40 =	vld.idx.msk [tilespmem:v3+s13+$0x0], $0xffff  }
0x12b: {  	v42 =	vadd.s32 $0x200, v5;
	v43 =	vadd.s32 $0x200, v2;
	v44 =	vadd.s32 $0x200, v6;
	v45 =	vld.idx.msk [tilespmem:v23+s13+$0x0], $0xffff;
	[tilespmem:s22+$0xFFFFFE70] =	vst v10  }
0x12c: {  	v46 =	vadd.s32 $0x200, v3;
	v47 =	vadd.s32 $0x200, v23;
	v15 =	vadd.s32 $0x280, v4;
	[tilespmem:s22+$0xFFFFFE10] =	vst v11;
	v48 =	vld.idx.msk [tilespmem:v14+s13+$0x0], $0xffff  }
0x12d: {  	v50 =	vadd.s32 $0x280, v7;
	v19 =	vadd.s32 $0x280, v5;
	v17 =	vadd.s32 $0x280, v2;
	v49 =	vld.idx.msk [tilespmem:v4+s13+$0x0], $0xffff;
	[tilespmem:s22+$0xFFFFFE20] =	vst v13  }
0x12e: {  	v52 =	vadd.s32 $0x100, v0;
	v18 =	vadd.s32 $0x280, v6;
	v51 =	vld.idx.msk [tilespmem:v1+s13+$0x0], $0xffff;
	[tilespmem:s22+$0xFFFFFE30] =	vst v16;
	v16 =	vadd.s32 $0x280, v3  }
0x12f: {  	v10 =	vadd.s32 $0x300, v7;
	v13 =	vadd.s32 $0x300, v4;
	v53 =	vld.idx.msk [tilespmem:v8+s13+$0x0], $0xffff;
	[tilespmem:s22+$0xFFFFFE40] =	vst v20;
	v20 =	vadd.s32 $0x280, v23  }
0x130: {  	v14 =	vadd.s32 $0x300, v5;
	v11 =	vadd.s32 $0x300, v2;
	v8 =	vadd.s32 $0x300, v6;
	v54 =	vld.idx.msk [tilespmem:v9+s13+$0x0], $0xffff;
	[tilespmem:s22+$0xFFFFFE50] =	vst v40  }
0x131: {  	v4 =	vadd.s32 $0x380, v4;
	v9 =	vadd.s32 $0x300, v23;
	v40 =	vld.idx.msk [tilespmem:v12+s13+$0x0], $0xffff;
	v12 =	vadd.s32 $0x300, v3;
	[tilespmem:s22+$0xFFFFFE60] =	vst v45  }
0x132: {  	v7 =	vadd.s32 $0x380, v7;
	v5 =	vadd.s32 $0x380, v5;
	v2 =	vadd.s32 $0x380, v2;
	v30 =	vld.idx.msk [tilespmem:v30+s13+$0x0], $0xffff;
	[tilespmem:s22+$0xFFFFFEF0] =	vst v48  }
0x133: {  	v1 =	vadd.s32 $0x380, v23;
	v6 =	vadd.s32 $0x380, v6;
	v3 =	vadd.s32 $0x380, v3;
	[tilespmem:s22+$0xFFFFFE00] =	vst v49;
	v23 =	vld.idx.msk [tilespmem:v52+s13+$0x0], $0xffff  }
0x134: {  	v35 =	vld.idx.msk [tilespmem:v35+s13+$0x0], $0xffff;
	[tilespmem:s22+$0xFFFFFE90] =	vst v51  }
0x135: {  	v45 =	vadd.s32 $0x180, v0;
	[tilespmem:s22+$0xFFFFFEA0] =	vst v53;
	v33 =	vld.idx.msk [tilespmem:v33+s13+$0x0], $0xffff  }
0x136: {  	v21 =	vld.idx.msk [tilespmem:v21+s13+$0x0], $0xffff;
	[tilespmem:s22+$0xFFFFFEB0] =	vst v54  }
0x137: {  	v24 =	vld.idx.msk [tilespmem:v24+s13+$0x0], $0xffff;
	[tilespmem:s22+$0xFFFFFEC0] =	vst v40  }
0x138: {  	v26 =	vld.idx.msk [tilespmem:v26+s13+$0x0], $0xffff;
	[tilespmem:s22+$0xFFFFFED0] =	vst v30  }
0x139: {  	v28 =	vld.idx.msk [tilespmem:v28+s13+$0x0], $0xffff;
	[tilespmem:s22+$0xFFFFFF70] =	vst v23  }
0x13a: {  	[tilespmem:s22+$0xFFFFFE80] =	vst v35;
	v23 =	vld.idx.msk [tilespmem:v45+s13+$0x0], $0xffff  }
0x13b: {  	v30 =	vld.idx.msk [tilespmem:v36+s13+$0x0], $0xffff;
	[tilespmem:s22+$0xFFFFFEE0] =	vst v33  }
0x13c: {  	[tilespmem:s22+$0xFFFFFF10] =	vst v21;
	v21 =	vld.idx.msk [tilespmem:v31+s13+$0x0], $0xffff;
	v31 =	vadd.s32 $0x200, v0  }
0x13d: {  	[tilespmem:s22+$0xFFFFFF20] =	vst v24;
	v24 =	vld.idx.msk [tilespmem:v34+s13+$0x0], $0xffff  }
0x13e: {  	v22 =	vld.idx.msk [tilespmem:v22+s13+$0x0], $0xffff;
	[tilespmem:s22+$0xFFFFFF30] =	vst v26  }
0x13f: {  	v25 =	vld.idx.msk [tilespmem:v25+s13+$0x0], $0xffff;
	[tilespmem:s22+$0xFFFFFF40] =	vst v28  }
0x140: {  	v26 =	vld.idx.msk [tilespmem:v27+s13+$0x0], $0xffff;
	[tilespmem:s22+$0xFFFFFFF0] =	vst v23  }
0x141: {  	[tilespmem:s22+$0xFFFFFF00] =	vst v30;
	v23 =	vld.idx.msk [tilespmem:v31+s13+$0x0], $0xffff  }
0x142: {  	v27 =	vld.idx.msk [tilespmem:v37+s13+$0x0], $0xffff;
	[tilespmem:s22+$0xFFFFFF50] =	vst v21  }
0x143: {  	v21 =	vld.idx.msk [tilespmem:v29+s13+$0x0], $0xffff;
	[tilespmem:s22+$0xFFFFFF60] =	vst v24;
	v24 =	vadd.s32 $0x280, v0  }
0x144: {  	[tilespmem:s22+$0xFFFFFF90] =	vst v22;
	v22 =	vld.idx.msk [tilespmem:v32+s13+$0x0], $0xffff  }
0x145: {  	[tilespmem:s22+$0xFFFFFFA0] =	vst v25;
	v25 =	vld.idx.msk [tilespmem:v41+s13+$0x0], $0xffff  }
0x146: {  	v28 =	vld.idx.msk [tilespmem:v39+s13+$0x0], $0xffff;
	[tilespmem:s22+$0xFFFFFFB0] =	vst v26  }
0x147: {  	v26 =	vld.idx.msk [tilespmem:v42+s13+$0x0], $0xffff;
	[tilespmem:s22+$0x70] =	vst v23  }
0x148: {  	[tilespmem:s22+$0xFFFFFF80] =	vst v27;
	v23 =	vld.idx.msk [tilespmem:v24+s13+$0x0], $0xffff  }
0x149: {  	v24 =	vld.idx.msk [tilespmem:v38+s13+$0x0], $0xffff;
	[tilespmem:s22+$0xFFFFFFC0] =	vst v21  }
0x14a: {  	v21 =	vld.idx.msk [tilespmem:v43+s13+$0x0], $0xffff;
	[tilespmem:s22+$0xFFFFFFD0] =	vst v22;
	v22 =	vadd.s32 $0x300, v0  }
0x14b: {  	v27 =	vld.idx.msk [tilespmem:v44+s13+$0x0], $0xffff;
	[tilespmem:s22+$0xFFFFFFE0] =	vst v25  }
0x14c: {  	[tilespmem:s22+$0x10] =	vst v28;
	v25 =	vld.idx.msk [tilespmem:v46+s13+$0x0], $0xffff  }
0x14d: {  	[tilespmem:s22+$0x20] =	vst v26;
	v26 =	vld.idx.msk [tilespmem:v47+s13+$0x0], $0xffff  }
0x14e: {  	v28 =	vld.idx.msk [tilespmem:v50+s13+$0x0], $0xffff;
	[tilespmem:s22+$0xF0] =	vst v23  }
0x14f: {  	[tilespmem:s22+$0x0] =	vst v24;
	v22 =	vld.idx.msk [tilespmem:v22+s13+$0x0], $0xffff  }
0x150: {  	v15 =	vld.idx.msk [tilespmem:v15+s13+$0x0], $0xffff;
	[tilespmem:s22+$0x30] =	vst v21  }
0x151: {  	v0 =	vadd.s32 $0x380, v0;
	v19 =	vld.idx.msk [tilespmem:v19+s13+$0x0], $0xffff;
	[tilespmem:s22+$0x40] =	vst v27  }
0x152: {  	v17 =	vld.idx.msk [tilespmem:v17+s13+$0x0], $0xffff;
	[tilespmem:s22+$0x50] =	vst v25  }
0x153: {  	v18 =	vld.idx.msk [tilespmem:v18+s13+$0x0], $0xffff;
	[tilespmem:s22+$0x60] =	vst v26  }
0x154: {  	[tilespmem:s22+$0x90] =	vst v28;
	v16 =	vld.idx.msk [tilespmem:v16+s13+$0x0], $0xffff  }
0x155: {  	v20 =	vld.idx.msk [tilespmem:v20+s13+$0x0], $0xffff;
	[tilespmem:s22+$0x170] =	vst v22  }
0x156: {  	[tilespmem:s22+$0x80] =	vst v15;
	v0 =	vld.idx.msk [tilespmem:v0+s13+$0x0], $0xffff  }
0x157: {  	v13 =	vld.idx.msk [tilespmem:v13+s13+$0x0], $0xffff;
	[tilespmem:s22+$0xA0] =	vst v19  }
0x158: {  	v10 =	vld.idx.msk [tilespmem:v10+s13+$0x0], $0xffff;
	[tilespmem:s22+$0xB0] =	vst v17  }
0x159: {  	v14 =	vld.idx.msk [tilespmem:v14+s13+$0x0], $0xffff;
	[tilespmem:s22+$0xC0] =	vst v18  }
0x15a: {  	v11 =	vld.idx.msk [tilespmem:v11+s13+$0x0], $0xffff;
	[tilespmem:s22+$0xD0] =	vst v16  }
0x15b: {  	v8 =	vld.idx.msk [tilespmem:v8+s13+$0x0], $0xffff;
	[tilespmem:s22+$0xE0] =	vst v20  }
0x15c: {  	v12 =	vld.idx.msk [tilespmem:v12+s13+$0x0], $0xffff;
	[tilespmem:s22+$0x1F0] =	vst v0  }
0x15d: {  	[tilespmem:s22+$0x100] =	vst v13;
	v0 =	vld.idx.msk [tilespmem:v9+s13+$0x0], $0xffff  }
0x15e: {  	v9 =	vld.idx.msk [tilespmem:v4+s13+$0x0], $0xffff;
	[tilespmem:s22+$0x110] =	vst v10  }
0x15f: {  	v4 =	vld.idx.msk [tilespmem:v7+s13+$0x0], $0xffff;
	[tilespmem:s22+$0x120] =	vst v14  }
.Ltmp2:
0x160: {  	v5 =	vld.idx.msk [tilespmem:v5+s13+$0x0], $0xffff;
	[tilespmem:s22+$0x130] =	vst v11;
	(pc) =	sbr.rel @p0 .LBB2_7-.Ltmp2, $4  }
0x161: {  	v2 =	vld.idx.msk [tilespmem:v2+s13+$0x0], $0xffff;
	[tilespmem:s22+$0x140] =	vst v8  }
0x162: {  	v6 =	vld.idx.msk [tilespmem:v6+s13+$0x0], $0xffff;
	[tilespmem:s22+$0x150] =	vst v12  }
0x163: {  	v3 =	vld.idx.msk [tilespmem:v3+s13+$0x0], $0xffff;
	[tilespmem:s22+$0x160] =	vst v0  }
0x164: {  	s24 =	sadd.s32 $0x80, s24;
	[tilespmem:s22+$0x180] =	vst v9;
	v1 =	vld.idx.msk [tilespmem:v1+s13+$0x0], $0xffff  }
0x165: {  	[tilespmem:s22+$0x190] =	vst v4;
	s20 =	sadd.s32 $0x1, s20  }
0x166: {  	[tilespmem:s22+$0x1A0] =	vst v5;
	p0 =	sne.s32 s20, $0x20  }
.Ltmp3:
0x167: {  	[tilespmem:s22+$0x1B0] =	vst v2;
	(pc) =	sbr.rel @p0 .LBB2_4-.Ltmp3, $4  }
0x168: {  	[tilespmem:s22+$0x1C0] =	vst v6  }
0x169: {  	[tilespmem:s22+$0x1D0] =	vst v3  }
0x16a: {  	s21 =	sadd.s32 s6, s21;
	[tilespmem:s22+$0x1E0] =	vst v1  }
0x16b: {  	[hbm4b:s21+s4] =	stream.linear.scatter [tilespmem:s16], [sflag:$0x4], $0x4000, $0x38;
	[tilespmem:$0x11000] =	vst v63  }
0x16c: {  	s19 =	sadd.s32 $0x1, s19  }
0x16d: {  	_ =	swait.ge [sflag:s17], $0x4000;
	p0 =	sne.s32 s19, s9  }
.Ltmp4:
0x16e: {  	[sflag:s17] =	ssyncset.done $0x0;
	(pc) =	sbr.rel @p0 .LBB2_1-.Ltmp4, $4  }
0x16f: {  	[sflag:s17] =	ssyncadd.s32 $0xFFFFC000  }
0x170: {  	_ =	swait.ge [sflag:s18], $0x4000  }
0x171: {  	[sflag:s18] =	ssyncset.done $0x0  }
0x172: {  	[sflag:s18] =	ssyncadd.s32 $0xFFFFC000  }
0x173: {  	_ =	sfence.sel $0x180000  }
0x174: {  	[bflag:$0x0] =	sbarrier.arrive $0xFFFF  }
0x175: {  	p0 =	sne.s32 s2, $0x0;
	_ =	strace $0x9000004A  }
0x176: {  	s0 =	sadd.s32 @!p0 $0x100000, s0;
	[bflag:$0x2] =	sbarrier.arrive $0xFFFF  }
0x177: {  	[sflag:s0] =	ssyncadd.tile.s32 @!p0 $0x1;
	_ =	shalt  }
.Lfunc_end2:
_tile_overlayer_lowered:
.L_overlay_start_2:
0x178: {  	(tag) =	ssettag $0x2  }
0x179: {  	s0 =	rddreg [dreg:$0x0];
	s2 =	stileid.u32  }
0x17a: {  	s1 =	rddreg [dreg:$0x1];
	p0 =	sne.s32 s2, $0x0  }
0x17b: {  	s3 =	rddreg [dreg:$0x2];
	[bflag:$0x3] =	sbarrier.arrive $0xFFFF;
	s2 =	simm.s32 @!p0 $0x1C05  }
0x17c: {  	[timem:s3], [sflag:s2] =	dma.local @!p0 [hbm:s0], s1  }
0x17d: {  	s0 =	simm.s32 @!p0 $0x5  }
0x17e: {  	_ =	swait.ge @!p0 [sflag:s0], s1  }
0x17f: {  	s1 =	ssub.s32 @!p0 $0x0, s1;
	[sflag:s0] =	ssyncset.done @!p0 $0x0  }
0x180: {  	[sflag:s0] =	ssyncadd.s32 @!p0 s1  }
0x181: {  	[bflag:$0x3] =	sbarrier.arrive $0xFFFF  }
0x182: {  	_ =	shalt  }

// kernel: sparse-core-data-format-call.cloned.1.call-start
scs
called_computation_lowered:
.L_overlay_start_0:
0x0: {  	s2 =	sld [smem:$0x3FD9]  }
0x1: {  	s3 =	sld [smem:$0x3FFE];
	_ =	sdelay $0x1  }
0x2: {  	s1 =	srdreg.scid  }
0x3: {  	s0 =	sand.u32 $0x1, s1  }
0x4: {  	s19 =	sshll.u32 s0, $0xA;
	s2 =	sadd.s32 s3, s2  }
0x5: {  	s2 =	sadd.s32 s2, s19  }
0x6: {  	[smem:$0x3FC6] =	sst s2  }
0x7: {  	_ = 	snop  }
0x8: {  	s2 =	sld [smem:$0x3FC9]  }
0x9: {  	s20 =	sld [smem:$0x3FD0];
	(tm) =	ssettm $0x1  }
0xa: {  	s4 =	sld [smem:$0x3FFB];
	_ =	sdelay $0x3  }
0xb: {  	_ =	strace s4  }
0xc: {  	s4 =	sld [smem:$0x3FFC];
	_ =	sdelay $0x3  }
0xd: {  	_ =	strace s4  }
0xe: {  	s4 =	sld [smem:$0x3FFD];
	_ =	sdelay $0x3  }
0xf: {  	_ =	strace s4  }
0x10: {  	_ =	strace $0x8FFFFFFF  }
0x11: {  	s21 =	sld [smem:$0x3FDB];
	_ =	sdelay $0x1  }
0x12: {  	s5 =	simm.s32 $_scs_section_size  }
0x13: {  	s6 =	simm.s32 $_size__tile_overlayer_lowered;
	s7 =	simm.s32 $_tile_overlayer_lowered  }
0x14: {  	s24 =	simm.s32 $0x1BFF;
	s23 =	sshll.u32 s7, $0x1;
	s4 =	sadd.s32 s5, s21  }
0x15: {  	s8 =	simm.s32 $0x0;
	s22 =	sshll.u32 s6, $0x1;
	s6 =	sadd.s32 s23, s4  }
0x16: {  	[timem:s8], [sflag:s24] =	dma.local [hbm:s6], s22  }
0x17: {  	_ =	swait.ge [sflag:s24], s22  }
0x18: {  	s5 =	ssub.s32 $0x0, s22;
	[sflag:s24] =	ssyncset.done $0x0  }
0x19: {  	[sflag:s24] =	ssyncadd.s32 s5;
	_ =	sdelay $0x1  }
0x1a: {  	s25 =	simm.s32 $0x1B8B  }
0x1b: {  	_ =	swait.ge [sflag:s25], $0x1  }
0x1c: {  	[sflag:s25] =	ssyncset.done $0x0  }
0x1d: {  	s26 =	simm.s32 $0x1B8E;
	[sflag:s25] =	ssyncadd.s32 $0xFFFFFFFF  }
0x1e: {  	s27 =	simm.s32 $execute0_lowered;
	[smem:$0x3FD2] =	sst s26  }
0x1f: {  	s5 =	sshll.u32 s27, $0x1;
	_ =	strace $0x80000046;
	[dreg:$0x1] =	wrdreg $0xFFFFFFFF  }
0x20: {  	s28 =	simm.s32 $_size_execute0_lowered;
	s4 =	sadd.s32 s4, s5;
	[dreg:$0x0] =	wrdreg $0x0  }
0x21: {  	s5 =	sshll.u32 s28, $0x1;
	[dreg:$0x2] =	wrdreg s4  }
0x22: {  	[dreg:$0x3] =	wrdreg s5  }
0x23: {  	[dreg:$0x4] =	wrdreg $0xC0  }
0x24: {  	_ =	task [dreg:s8], $0x5FFFF  }
0x25: {  	[dreg:$0x1] =	wrdreg $0xFFFFFFFF  }
0x26: {  	[dreg:$0x0] =	wrdreg $0x60  }
0x27: {  	[dreg:$0x2] =	wrdreg s2  }
0x28: {  	[dreg:$0x3] =	wrdreg s20  }
0x29: {  	[dreg:$0x4] =	wrdreg $0x9  }
0x2a: {  	_ =	task.clear_ibuf [dreg:s8], $0x5FFFF;
	_ =	strace $0x90000046  }
0x2b: {  	s29 =	simm.s32 $0x9;
	_ =	strace $0x80000048  }
0x2c: {  	_ =	swait.ge [sflag:s29], $0x1  }
0x2d: {  	[sflag:s29] =	ssyncadd.s32 $0xFFFFFFFF  }
0x2e: {  	_ =	strace $0x90000048  }
0x2f: {  	_ =	sfence  }
0x30: {  	s30 =	sld [smem:$0x0];
	_ =	sdelay $0x2  }
0x31: {  	s31 =	sshll.u32 s1, $0xD;
	s1 =	sshrl.u32 s1, $0x2  }
0x32: {  	s3 =	sand.u32 $0x4000, s31;
	s1 =	sadd.s32 s1, s30  }
0x33: {  	s0 =	sor.u32 s3, s0;
	s1 =	sshll.u32 s1, $0x11  }
0x34: {  	s0 =	sor.u32 s1, s0  }
0x35: {  	s0 =	sadd.s32 $0x8F2B, s0  }
0x36: {  	[sflag:s0] =	ssyncadd.remote.s32 $0x1  }
0x37: {  	_ =	sfence.sel $0xFFFF  }
0x38: {  	[dreg:$0x0] =	wrdreg $0xFFFFFFFF;
	(pc) =	sbr.abs _section_cstart, $3  }
0x39: {  	[dreg:$0x1] =	wrdreg $0xFFFFFFFF  }
0x3a: {  	_ =	task.clear_ibuf [dreg:s8], $0x2FFFF;
	_ =	strace $0x9FFFFFFF  }
0x3b: {  	(tm) =	ssettm $0x7FFFFFFF  }
tec
execute0_lowered:
.L_overlay_start_1:
0x0: {  	(tag) =	ssettag $0x1  }
0x1: {  	s2 =	rddreg [dreg:$0x0]  }
0x2: {  	s3 =	rddreg [dreg:$0x1]  }
0x3: {  	s0 =	rddreg [dreg:$0x2];
	_ =	strace $0x80000047  }
0x4: {  	s4 =	srdreg.scid;
	s1 =	stileid.u32;
	s6 =	simm.s32 $0x2  }
.Ltmp0:
0x5: {  	s11 =	simm.s32 $0x0;
	p0 =	por $0x0, $0x0;
	(pc) =	sbr.rel .LBB1_1-.Ltmp0, $4  }
0x6: {  	s7 =	simm.s32 $0x4000;
	s12 =	simm.s32 $0x0;
	s5 =	sshll.u32 s4, $0x4  }
0x7: {  	s9 =	simm.s32 $0x0;
	s4 =	simm.s32 $0x1;
	s5 =	sand.u32 $0x10, s5  }
0x8: {  	s8 =	simm.s32 $0x0;
	[sflag:s4] =	ssyncpa.u1 $0x0;
	s5 =	sor.u32 s1, s5  }
0x9: {  	[sflag:s6] =	ssyncpa.u1 $0x0;
	s6 =	simm.s32 $0x800;
	s10 =	smov.u32 s5  }
.LBB1_7:
0xa: {  	s13 =	sadd.s32 $0x10, s9  }
0xb: {  	s11 =	sadd.s32 $0x20, s10;
	s15 =	smov.u32 s10;
	p2 =	sgt.s32 s13, $0x7F  }
0xc: {  	p1 =	slt.u32 s8, $0x2;
	s15 =	smov.u32 @p2 s11  }
0xd: {  	s8 =	sadd.s32 $0x1, s8;
	s13 =	simm.s32 @p2 $0x0;
	p2 =	sgt.s32 s15, $0xFF  }
0xe: {  	s15 =	smov.u32 @p2 s5;
	p2 =	sne.s32 s8, $0x42  }
.Ltmp1:
0xf: {  	_ = 	snop;
	(pc) =	sbr.rel @!p2 .LBB1_8-.Ltmp1, $4  }
0x10: {  	s14 =	simm.s32 @!p1 $0x2  }
0x11: {  	s12 =	smov.u32 s10;
	_ =	swait.ge @!p1 [sflag:s14], $0x4000  }
0x12: {  	p0 =	por !p0, !p0;
	s11 =	smov.u32 s9;
	[sflag:s14] =	ssyncset.done @!p1 $0x0  }
0x13: {  	s9 =	smov.u32 s13;
	[sflag:s14] =	ssyncadd.s32 @!p1 $0xFFFFC000;
	s10 =	smov.u32 s15  }
.LBB1_1:
0x14: {  	p1 =	sgt.u32 s8, $0x3F  }
0x15: {  	s13 =	sxor.u32 @!p1 $0xFFFFFFFF, s8;
	s14 =	sshll.u32 @!p1 s10, $0xE  }
0x16: {  	s15 =	sshll.u32 @!p1 s9, $0x7;
	s13 =	sshll.u32 @!p1 s13, $0xE;
	s14 =	sadd.s32 @!p1 s2, s14  }
0x17: {  	s13 =	sand.u32 @!p1 $0x4000, s13;
	s14 =	sadd.s32 @!p1 s15, s14;
	s15 =	simm.s32 @!p1 $0x0  }
0x18: {  	[tilespmem:s13], [sflag:$0x1] =	stream.linear.gather @!p1 [hbm4b:s14+s15], $0x4000, $0x38;
	[tilespmem:$0x10000] =	vst v63  }
0x19: {  	p1 =	seq.s32 s8, $0x0  }
0x1a: {  	p2 =	seq.s32 @!p1 s8, $0x41  }
0x1b: {  	p1 =	por p1, p2  }
.Ltmp2:
0x1c: {  	_ = 	snop;
	(pc) =	sbr.rel @p1 .LBB1_7-.Ltmp2, $1  }
0x1d: {  	_ =	sdelay $0x3  }
0x1e: {  	s13 =	simm.s32 $0x1;
	_ =	swait.ge [sflag:s4], $0x4000;
	s16 =	sshll.u32 s8, $0xE  }
0x1f: {  	s13 =	simm.s32 @!p0 $0x0;
	[sflag:s4] =	ssyncset.done $0x0;
	s31 =	sand.u32 $0x4000, s16  }
0x20: {  	s16 =	simm.s32 $0x0;
	s14 =	sshll.u32 s13, $0xE;
	[sflag:s4] =	ssyncadd.s32 $0xFFFFC000  }
0x21: {  	s13 =	sor.u32 $0x8040, s14;
	s15 =	sor.u32 $0x40, s14;
	s14 =	sor.u32 $0x8000, s31  }
.LBB1_3:
0x22: {  	v0 =	vmov s15;
	_ =	sdelay $0x3  }
0x23: {  	s18 =	simm.s32 $0x0  }
0x24: {  	v6 =	vld.idx.msk [tilespmem:v0+s18+$0x30 ss:$0x1], $0xffff  }
0x25: {  	v7 =	vld.idx.msk [tilespmem:v0+s18+$0xFFFFFFC0 ss:$0x1], $0xffff  }
0x26: {  	v5 =	vld.idx.msk [tilespmem:v0+s18+$0xFFFFFFD0 ss:$0x1], $0xffff  }
0x27: {  	v4 =	vld.idx.msk [tilespmem:v0+s18+$0xFFFFFFE0 ss:$0x1], $0xffff  }
0x28: {  	v3 =	vld.idx.msk [tilespmem:v0+s18+$0xFFFFFFF0 ss:$0x1], $0xffff  }
0x29: {  	v1 =	vld.idx.msk [tilespmem:v0+s18+$0x0 ss:$0x1], $0xffff  }
0x2a: {  	v2 =	vld.idx.msk [tilespmem:v0+s18+$0x10 ss:$0x1], $0xffff;
	[tilespmem:s13+$0x30] =	vst v6  }
0x2b: {  	s17 =	simm.s32 $0x80;
	s19 =	simm.s32 $0x400;
	[tilespmem:s13+$0xFFFFFFC0] =	vst v7;
	v6 =	vld.idx.msk [tilespmem:v0+s18+$0x20 ss:$0x1], $0xffff;
	s18 =	smov.u32 s13  }
.LBB1_4:
0x2c: {  	p1 =	sne.s32 s19, $0xE00;
	v7 =	vld.idx.msk [tilespmem:v0+s17+$0x30 ss:$0x1], $0xffff;
	[tilespmem:s18+$0xFFFFFFD0] =	vst v5  }
0x2d: {  	v8 =	vld.idx.msk [tilespmem:v0+s17+$0xFFFFFFC0 ss:$0x1], $0xffff;
	[tilespmem:s18+$0xFFFFFFE0] =	vst v4  }
0x2e: {  	v5 =	vld.idx.msk [tilespmem:v0+s17+$0xFFFFFFD0 ss:$0x1], $0xffff;
	[tilespmem:s18+$0xFFFFFFF0] =	vst v3  }
.Ltmp3:
0x2f: {  	v4 =	vld.idx.msk [tilespmem:v0+s17+$0xFFFFFFE0 ss:$0x1], $0xffff;
	[tilespmem:s18+$0x0] =	vst v1;
	(pc) =	sbr.rel @p1 .LBB1_4-.Ltmp3, $4  }
0x30: {  	v3 =	vld.idx.msk [tilespmem:v0+s17+$0xFFFFFFF0 ss:$0x1], $0xffff;
	[tilespmem:s18+$0x10] =	vst v2  }
0x31: {  	v1 =	vld.idx.msk [tilespmem:v0+s17+$0x0 ss:$0x1], $0xffff;
	[tilespmem:s18+$0x20] =	vst v6;
	s18 =	sadd.s32 $0x800, s18  }
0x32: {  	v2 =	vld.idx.msk [tilespmem:v0+s17+$0x10 ss:$0x1], $0xffff;
	[tilespmem:s18+$0x30] =	vst v7  }
0x33: {  	[tilespmem:s18+$0xFFFFFFC0] =	vst v8;
	v6 =	vld.idx.msk [tilespmem:v0+s17+$0x20 ss:$0x1], $0xffff;
	s17 =	sshra.s32 s19, $0x2;
	s19 =	sadd.s32 $0x200, s19  }
0x34: {  	_ =	sdelay $0x2  }
0x35: {  	[tilespmem:s18+$0xFFFFFFD0] =	vst v5  }
0x36: {  	v56 =	vld.idx.msk [tilespmem:v0+s17+$0x30 ss:$0x1], $0xffff;
	[tilespmem:s18+$0xFFFFFFE0] =	vst v4  }
0x37: {  	v57 =	vld.idx.msk [tilespmem:v0+s17+$0xFFFFFFC0 ss:$0x1], $0xffff;
	[tilespmem:s18+$0xFFFFFFF0] =	vst v3  }
0x38: {  	v58 =	vld.idx.msk [tilespmem:v0+s17+$0xFFFFFFD0 ss:$0x1], $0xffff;
	[tilespmem:s18+$0x0] =	vst v1  }
0x39: {  	v59 =	vld.idx.msk [tilespmem:v0+s17+$0xFFFFFFE0 ss:$0x1], $0xffff;
	[tilespmem:s18+$0x10] =	vst v2  }
0x3a: {  	v60 =	vld.idx.msk [tilespmem:v0+s17+$0xFFFFFFF0 ss:$0x1], $0xffff;
	s31 =	sadd.s32 $0x800, s18;
	[tilespmem:s18+$0x20] =	vst v6  }
0x3b: {  	v61 =	vld.idx.msk [tilespmem:v0+s17+$0x0 ss:$0x1], $0xffff;
	[tilespmem:s31+$0x30] =	vst v56  }
0x3c: {  	v62 =	vld.idx.msk [tilespmem:v0+s17+$0x10 ss:$0x1], $0xffff;
	s16 =	sadd.s32 $0x1, s16;
	[tilespmem:s31+$0xFFFFFFC0] =	vst v57  }
0x3d: {  	v63 =	vld.idx.msk [tilespmem:v0+s17+$0x20 ss:$0x1], $0xffff;
	p1 =	sne.s32 s16, $0x10;
	[tilespmem:s31+$0xFFFFFFD0] =	vst v58  }
.Ltmp4:
0x3e: {  	[tilespmem:s31+$0xFFFFFFE0] =	vst v59;
	(pc) =	sbr.rel @p1 .LBB1_3-.Ltmp4, $4  }
0x3f: {  	[tilespmem:s31+$0xFFFFFFF0] =	vst v60  }
0x40: {  	[tilespmem:s31+$0x0] =	vst v61  }
0x41: {  	[tilespmem:s31+$0x10] =	vst v62  }
0x42: {  	s13 =	sadd.s32 $0x80, s13;
	s15 =	sadd.s32 $0x400, s15;
	[tilespmem:s31+$0x20] =	vst v63  }
.Ltmp5:
0x43: {  	(pc) =	sbr.rel .LBB1_7-.Ltmp5, $4  }
0x44: {  	s12 =	sshll.u32 s12, $0xE;
	s11 =	sshll.u32 s11, $0x4  }
0x45: {  	s11 =	sand.u32 $0x7F0, s11;
	s12 =	sadd.s32 s3, s12  }
0x46: {  	s11 =	sadd.s32 s11, s12  }
0x47: {  	[hbm4b:s11+s6] =	stream.strided.scatter [tilespmem:s14], [sflag:$0x2], $0x4000, s7, s6, $0x38;
	[tilespmem:$0x10000] =	vst v63  }
.LBB1_8:
0x48: {  	_ =	sfence.sel $0x180000  }
0x49: {  	s2 =	simm.s32 $0x1;
	[bflag:$0x0] =	sbarrier.arrive $0xFFFF  }
0x4a: {  	s31 =	simm.s32 $0x2;
	[sflag:s2] =	ssyncpa.u1 $0x1  }
0x4b: {  	[sflag:s31] =	ssyncpa.u1 $0x1  }
0x4c: {  	p0 =	sne.s32 s1, $0x0;
	_ =	strace $0x90000047  }
0x4d: {  	s0 =	sadd.s32 @!p0 $0x100000, s0;
	[bflag:$0x2] =	sbarrier.arrive $0xFFFF  }
0x4e: {  	[sflag:s0] =	ssyncadd.tile.s32 @!p0 $0x1;
	_ =	shalt  }
.Lfunc_end1:
_tile_overlayer_lowered:
.L_overlay_start_2:
0x4f: {  	(tag) =	ssettag $0x2  }
0x50: {  	s0 =	rddreg [dreg:$0x0];
	s2 =	stileid.u32  }
0x51: {  	s1 =	rddreg [dreg:$0x1];
	p0 =	sne.s32 s2, $0x0  }
0x52: {  	s3 =	rddreg [dreg:$0x2];
	[bflag:$0x3] =	sbarrier.arrive $0xFFFF;
	s2 =	simm.s32 @!p0 $0x1C01  }
0x53: {  	[timem:s3], [sflag:s2] =	dma.local @!p0 [hbm:s0], s1  }
0x54: {  	s0 =	simm.s32 @!p0 $0x1  }
0x55: {  	_ =	swait.ge @!p0 [sflag:s0], s1  }
0x56: {  	s1 =	ssub.s32 @!p0 $0x0, s1;
	[sflag:s0] =	ssyncset.done @!p0 $0x0  }
0x57: {  	[sflag:s0] =	ssyncadd.s32 @!p0 s1  }
0x58: {  	[bflag:$0x3] =	sbarrier.arrive $0xFFFF  }
0x59: {  	_ =	shalt  }

</sc_bundles>
